<compile_context>
chip_gen: v7x
topology: tpu7x:2x2x1
jax: 0.10.2.dev20260603
libtpu: 0.0.44.dev20260713+nightly
codegen_flags: <defaults>
</compile_context>

<pallas_src>
import functools
import jax
import jax.numpy as jnp
from jax import lax
from jax.experimental import pallas as pl
from jax.experimental.pallas import tpu as pltpu
from jax.experimental.pallas import tpu_sc as plsc

B = 1024
D = 768
P = 64
POOL = 30
L = 3
K = 3

BS1 = 32
BS = 1024
NW = 32
BW = B // NW


def _matvec_body(x_ref, w_ref, o_ref):
    x = x_ref[...].reshape(BS1 * P, D)
    w = w_ref[...]
    w_rep = jnp.concatenate([w] * BS1, axis=1)
    biota = lax.broadcasted_iota(jnp.int32, (BS1, BS1 * P), 0)
    kiota = lax.broadcasted_iota(jnp.int32, (BS1, BS1 * P), 1)
    lhs = jnp.where((kiota // P) == biota,
                    jnp.broadcast_to(w_rep, (BS1, BS1 * P)), 0.0)
    o_ref[...] = lax.dot_general(lhs, x, (((1,), (0,)), ((), ())),
                                 preferred_element_type=jnp.float32)


def _rownorm(x):
    sq = x * x
    p = sq[:, 0:128]
    for c in range(1, 6):
        p = p + sq[:, c * 128:(c + 1) * 128]
    q = p[:, 0:8]
    for t in range(1, 16):
        q = q + p[:, 8 * t:8 * t + 8]
    a0 = q[:, 0:1] + q[:, 4:5]
    a2 = q[:, 2:3] + q[:, 6:7]
    a1 = q[:, 1:2] + q[:, 5:6]
    a3 = q[:, 3:4] + q[:, 7:8]
    tot = (a0 + a2) + (a1 + a3)
    return jnp.sqrt(tot)


def _route_body(s_ref, keys_ref, b_ref, idx_ref, acc_ref):
    i = pl.program_id(0)

    @pl.when(i == 0)
    def _():
        acc_ref[0, 0] = 0.0

    s = s_ref[...] + b_ref[0, 0]
    s_norm = s / jnp.clip(_rownorm(s), 1e-12, None)
    keys = keys_ref[...]
    kn = keys / jnp.clip(_rownorm(keys), 1e-12, None)
    sim = lax.dot_general(s_norm, kn, (((1,), (1,)), ((), ())),
                          preferred_element_type=jnp.float32)

    iota = lax.broadcasted_iota(jnp.int32, (BS, POOL), 1)
    acc = 0.0
    simw = sim
    for k in range(K):
        m = jnp.max(simw, axis=1, keepdims=True)
        ismax = simw == m
        idxk = jnp.min(jnp.where(ismax, iota, POOL), axis=1, keepdims=True)
        sel = iota == idxk
        idx_ref[k:k + 1, :] = jnp.transpose(idxk, (1, 0))
        acc = acc + jnp.sum(m)
        simw = jnp.where(sel, -3e38, simw)

    acc_ref[0, 0] += acc


def _sc_gather_body(idx_hbm, pv_hbm, out_hbm, idxt, lst, buf, sem):
    wid = lax.axis_index("s") * 2 + lax.axis_index("c")
    base = wid * BW
    for k in range(K):
        pltpu.sync_copy(idx_hbm.at[k, pl.ds(base, BW)], idxt)
        for l in range(L):
            for t in range(BW // 16):
                v = idxt[pl.ds(16 * t, 16)]
                lst[pl.ds(BW * l + 16 * t, 16)] = v + POOL * l
        pltpu.async_copy(pv_hbm.at[lst], buf, sem).wait()
        for l in range(L):
            pltpu.sync_copy(buf.at[pl.ds(BW * l, BW), :],
                            out_hbm.at[L * k + l, pl.ds(base, BW), :])


def kernel(summary, prompt_keys, prompt_values, W_map, b_map):
    b2 = b_map.reshape(1, 1)
    summary_t = jnp.transpose(summary, (0, 2, 1))

    s = pl.pallas_call(
        _matvec_body,
        grid=(B // BS1,),
        in_specs=[
            pl.BlockSpec((BS1, P, D), lambda i: (i, 0, 0)),
            pl.BlockSpec((1, P), lambda i: (0, 0)),
        ],
        out_specs=pl.BlockSpec((BS1, D), lambda i: (i, 0)),
        out_shape=jax.ShapeDtypeStruct((B, D), jnp.float32),
    )(summary_t, W_map)

    idx, out_acc = pl.pallas_call(
        _route_body,
        grid=(B // BS,),
        in_specs=[
            pl.BlockSpec((BS, D), lambda i: (i, 0)),
            pl.BlockSpec((POOL, D), lambda i: (0, 0)),
            pl.BlockSpec(memory_space=pltpu.SMEM),
        ],
        out_specs=[
            pl.BlockSpec((K, BS), lambda i: (0, i)),
            pl.BlockSpec(memory_space=pltpu.SMEM),
        ],
        out_shape=[
            jax.ShapeDtypeStruct((K, B), jnp.int32),
            jax.ShapeDtypeStruct((1, 1), jnp.float32),
        ],
    )(s, prompt_keys, b2)

    pv_t = jnp.transpose(prompt_values, (1, 0, 2)).reshape(L * POOL, D)

    mesh = plsc.VectorSubcoreMesh(core_axis_name="c", subcore_axis_name="s")
    sc_gather = functools.partial(
        pl.kernel,
        mesh=mesh,
        out_type=jax.ShapeDtypeStruct((K * L, B, D), jnp.float32),
        scratch_types=[
            pltpu.VMEM((BW,), jnp.int32),
            pltpu.VMEM((L * BW,), jnp.int32),
            pltpu.VMEM((L * BW, D), jnp.float32),
            pltpu.SemaphoreType.DMA,
        ],
    )(_sc_gather_body)

    out_jmajor = sc_gather(idx, pv_t)
    batched_prompt = jnp.transpose(out_jmajor, (1, 0, 2))
    reduce_sim = out_acc[0, 0] / B
    return (batched_prompt, reduce_sim)

# --- scband reference (transcript-rebuilt; emitter-appended) ---
"""Pipeline reference for scband-prompt-pool-15290083573970 (READ-ONLY COPY).

The authoritative reference and input builder live on the scoring server;
editing this copy changes nothing except your own understanding.
"""

import jax, jax.numpy as jnp
import numpy as np

B = 1024
D = 768          # embedding_dim (hardcoded 768 in the torch module)
P = 64           # num_patches (a.k.a. patch_num)
POOL = 30        # pool_size
L = 3            # prompt_length
K = 3            # top_k


def l2_normalize(x, axis):
    n = jnp.linalg.norm(x, axis=axis, keepdims=True)
    return x / jnp.clip(n, 1e-12, None)


def setup_inputs(seed: int = 0) -> dict:
    key = jax.random.key(seed)
    k1, k2, k3, k4 = jax.random.split(key, 4)
    summary = jax.random.normal(k1, (B, D, P), dtype=jnp.float32)
    # learnable parameters per __init__
    prompt_keys = jax.random.normal(k2, (POOL, D), dtype=jnp.float32)          # stacked prompt_key_dict
    prompt_values = jax.random.normal(k3, (POOL, L, D), dtype=jnp.float32)     # stacked prompt_value_dict
    W_map = jax.random.normal(k4, (1, P), dtype=jnp.float32) * (1.0 / np.sqrt(P))  # nn.Linear(num_patches, 1) weight
    b_map = jnp.zeros((1,), dtype=jnp.float32)                                 # nn.Linear bias
    return {"summary": summary, "prompt_keys": prompt_keys,
            "prompt_values": prompt_values, "W_map": W_map, "b_map": b_map}


def reference(summary, prompt_keys, prompt_values, W_map, b_map):
    # prompt_key_matrix = stack(keys); prompt_norm = l2_normalize(..., dim=1)
    prompt_norm = l2_normalize(prompt_keys, axis=1)                  # (POOL, D)
    # summary_reshaped = summary.view(-1, patch_num)
    s = summary.reshape(-1, P)                                       # (B*D, P)
    # summary_mapped = self.summary_map(summary_reshaped)
    s = s @ W_map.T + b_map                                          # (B*D, 1)
    # summary = summary_mapped.view(-1, 768)
    s = s.reshape(-1, D)                                             # (B, D)
    s_norm = l2_normalize(s, axis=1)                                 # (B, D)
    # similarity = summary_embed_norm @ prompt_norm.t()
    similarity = s_norm @ prompt_norm.T                              # (B, POOL)
    # _, idx = torch.topk(similarity, k=top_k, dim=1)
    _, idx = jax.lax.top_k(similarity, K)                            # (B, K) int32
    # batched_prompt_raw = prompt_value_matrix[idx].squeeze(1)  (squeeze is a no-op here)
    bp_raw = jnp.take(prompt_values, idx, axis=0)                    # (B, K, L, D)
    bsz = bp_raw.shape[0]
    batched_prompt = bp_raw.reshape(bsz, K * L, D)                   # (B, K*L, D)
    # batched_key_norm = prompt_norm[idx]
    batched_key_norm = jnp.take(prompt_norm, idx, axis=0)            # (B, K, D)
    sim = batched_key_norm * s_norm[:, None, :]                      # (B, K, D)
    reduce_sim = jnp.sum(sim) / s.shape[0]
    return (batched_prompt, reduce_sim)


if False:  # reference __main__ guard neutralized (emitter)
    inp = setup_inputs()
    out = reference(**inp)
    print(out[0].shape, out[1])

if __name__ == "__main__":
    import jax
    _d = setup_inputs()
    print(jax.jit(kernel)(*tuple(_d.values())))

</pallas_src>

<mosaic_0001>
#map = affine_map<(d0, d1) -> (0, 0)>
#map1 = affine_map<(d0, d1) -> (0, 0, 0)>
module attributes {stable_mosaic.version = 14 : i64} {
  func.func @_sc_gather_body(%arg0: i32, %arg1: i32, %arg2: memref<3x1024xi32, #tpu.memory_space<hbm>>, %arg3: memref<90x768xf32, #tpu.memory_space<hbm>>, %arg4: memref<9x1024x768xf32, #tpu.memory_space<hbm>>, %arg5: memref<32xi32, #tpu.memory_space<vmem>>, %arg6: memref<96xi32, #tpu.memory_space<vmem>>, %arg7: memref<96x768xf32, #tpu.memory_space<vmem>>, %arg8: memref<!tpu.dma_semaphore, #tpu.memory_space<semaphore_mem>>) attributes {dimension_semantics = [#tpu.dimension_semantics<core_parallel>, #tpu.dimension_semantics<subcore_parallel>], iteration_bounds = array<i64: 2, 16>, scalar_prefetch = 0 : i64, scratch_operands = 4 : i64, tpu.core_type = #tpu.core_type<sc_vector_subcore>, window_params = [{transform_indices = #map}, {transform_indices = #map}, {transform_indices = #map1}]} {
    %mul3A = arith.constant 2 : i32
    %mul3A_0 = arith.muli %arg1, %mul3A : i32
    %add3A = arith.addi %mul3A_0, %arg0 : i32
    %mul3A_1 = arith.constant 32 : i32
    %mul3A_2 = arith.muli %add3A, %mul3A_1 : i32
    %run_scoped3A = arith.constant 0 : i32
    "tpu.region"() ({
      %run_scoped3A_208 = tpu.sem_alloc : memref<!tpu.dma_semaphore, #tpu.memory_space<semaphore_mem>>
      %dma_start3A_209 = tpu.memref_slice %arg2[%run_scoped3A, %mul3A_2] : memref<3x1024xi32, #tpu.memory_space<hbm>> -> memref<1x32xi32, #tpu.memory_space<hbm>>
      %dma_start3A_210 = tpu.memref_squeeze %dma_start3A_209 : memref<1x32xi32, #tpu.memory_space<hbm>> -> memref<32xi32, #tpu.memory_space<hbm>>
      %dma_start3A_211 = tpu.memref_slice %arg2[%run_scoped3A, %mul3A_2] : memref<3x1024xi32, #tpu.memory_space<hbm>> -> memref<1x32xi32, #tpu.memory_space<hbm>>
      %dma_start3A_212 = tpu.memref_squeeze %dma_start3A_211 : memref<1x32xi32, #tpu.memory_space<hbm>> -> memref<32xi32, #tpu.memory_space<hbm>>
      tpu.enqueue_dma source(%dma_start3A_212 : memref<32xi32, #tpu.memory_space<hbm>>) target(%arg5 : memref<32xi32, #tpu.memory_space<vmem>>) target_semaphore(%run_scoped3A_208 : memref<!tpu.dma_semaphore, #tpu.memory_space<semaphore_mem>>)
      %dma_wait3A_213 = tpu.memref_slice %arg2[%run_scoped3A, %mul3A_2] : memref<3x1024xi32, #tpu.memory_space<hbm>> -> memref<1x32xi32, #tpu.memory_space<hbm>>
      %dma_wait3A_214 = tpu.memref_squeeze %dma_wait3A_213 : memref<1x32xi32, #tpu.memory_space<hbm>> -> memref<32xi32, #tpu.memory_space<hbm>>
      %dma_wait3A_215 = tpu.memref_slice %arg2[%run_scoped3A, %mul3A_2] : memref<3x1024xi32, #tpu.memory_space<hbm>> -> memref<1x32xi32, #tpu.memory_space<hbm>>
      %dma_wait3A_216 = tpu.memref_squeeze %dma_wait3A_215 : memref<1x32xi32, #tpu.memory_space<hbm>> -> memref<32xi32, #tpu.memory_space<hbm>>
      tpu.wait_dma2 semaphore(%run_scoped3A_208 : memref<!tpu.dma_semaphore, #tpu.memory_space<semaphore_mem>>) src(%dma_wait3A_216 : memref<32xi32, #tpu.memory_space<hbm>>) dst(%arg5 : memref<32xi32, #tpu.memory_space<vmem>>)
      tpu.yield
    }) : () -> ()
    %get3A = arith.constant 0 : index
    %get3A_3 = tpu.vector_load %arg5[%get3A] {strides = array<i32>} : memref<32xi32, #tpu.memory_space<vmem>>, vector<16xi32>,
    %get3A_4 = vector.shape_cast %get3A_3 : vector<16xi32> to vector<16xi32>
    %add3A_5 = arith.constant 0 : i32
    %add3A_6 = vector.broadcast %add3A_5 : i32 to vector<16xi32>
    %add3A_7 = arith.addi %get3A_4, %add3A_6 : vector<16xi32>
    %swap3A = arith.constant 0 : index
    %swap3A_8 = tpu.vector_load %arg6[%swap3A] {strides = array<i32>} : memref<96xi32, #tpu.memory_space<vmem>>, vector<16xi32>,
    %swap3A_9 = vector.shape_cast %swap3A_8 : vector<16xi32> to vector<16xi32>
    %swap3A_10 = vector.shape_cast %add3A_7 : vector<16xi32> to vector<16xi32>
    tpu.vector_store %arg6[%swap3A], %swap3A_10 {strides = array<i32>} : memref<96xi32, #tpu.memory_space<vmem>>, vector<16xi32>,
    %get3A_11 = arith.constant 16 : index
    %get3A_12 = tpu.vector_load %arg5[%get3A_11] {strides = array<i32>} : memref<32xi32, #tpu.memory_space<vmem>>, vector<16xi32>,
    %get3A_13 = vector.shape_cast %get3A_12 : vector<16xi32> to vector<16xi32>
    %add3A_14 = arith.constant 0 : i32
    %add3A_15 = vector.broadcast %add3A_14 : i32 to vector<16xi32>
    %add3A_16 = arith.addi %get3A_13, %add3A_15 : vector<16xi32>
    %swap3A_17 = arith.constant 16 : index
    %swap3A_18 = tpu.vector_load %arg6[%swap3A_17] {strides = array<i32>} : memref<96xi32, #tpu.memory_space<vmem>>, vector<16xi32>,
    %swap3A_19 = vector.shape_cast %swap3A_18 : vector<16xi32> to vector<16xi32>
    %swap3A_20 = vector.shape_cast %add3A_16 : vector<16xi32> to vector<16xi32>
    tpu.vector_store %arg6[%swap3A_17], %swap3A_20 {strides = array<i32>} : memref<96xi32, #tpu.memory_space<vmem>>, vector<16xi32>,
    %get3A_21 = arith.constant 0 : index
    %get3A_22 = tpu.vector_load %arg5[%get3A_21] {strides = array<i32>} : memref<32xi32, #tpu.memory_space<vmem>>, vector<16xi32>,
    %get3A_23 = vector.shape_cast %get3A_22 : vector<16xi32> to vector<16xi32>
    %add3A_24 = arith.constant 30 : i32
    %add3A_25 = vector.broadcast %add3A_24 : i32 to vector<16xi32>
    %add3A_26 = arith.addi %get3A_23, %add3A_25 : vector<16xi32>
    %swap3A_27 = arith.constant 32 : index
    %swap3A_28 = tpu.vector_load %arg6[%swap3A_27] {strides = array<i32>} : memref<96xi32, #tpu.memory_space<vmem>>, vector<16xi32>,
    %swap3A_29 = vector.shape_cast %swap3A_28 : vector<16xi32> to vector<16xi32>
    %swap3A_30 = vector.shape_cast %add3A_26 : vector<16xi32> to vector<16xi32>
    tpu.vector_store %arg6[%swap3A_27], %swap3A_30 {strides = array<i32>} : memref<96xi32, #tpu.memory_space<vmem>>, vector<16xi32>,
    %get3A_31 = arith.constant 16 : index
    %get3A_32 = tpu.vector_load %arg5[%get3A_31] {strides = array<i32>} : memref<32xi32, #tpu.memory_space<vmem>>, vector<16xi32>,
    %get3A_33 = vector.shape_cast %get3A_32 : vector<16xi32> to vector<16xi32>
    %add3A_34 = arith.constant 30 : i32
    %add3A_35 = vector.broadcast %add3A_34 : i32 to vector<16xi32>
    %add3A_36 = arith.addi %get3A_33, %add3A_35 : vector<16xi32>
    %swap3A_37 = arith.constant 48 : index
    %swap3A_38 = tpu.vector_load %arg6[%swap3A_37] {strides = array<i32>} : memref<96xi32, #tpu.memory_space<vmem>>, vector<16xi32>,
    %swap3A_39 = vector.shape_cast %swap3A_38 : vector<16xi32> to vector<16xi32>
    %swap3A_40 = vector.shape_cast %add3A_36 : vector<16xi32> to vector<16xi32>
    tpu.vector_store %arg6[%swap3A_37], %swap3A_40 {strides = array<i32>} : memref<96xi32, #tpu.memory_space<vmem>>, vector<16xi32>,
    %get3A_41 = arith.constant 0 : index
    %get3A_42 = tpu.vector_load %arg5[%get3A_41] {strides = array<i32>} : memref<32xi32, #tpu.memory_space<vmem>>, vector<16xi32>,
    %get3A_43 = vector.shape_cast %get3A_42 : vector<16xi32> to vector<16xi32>
    %add3A_44 = arith.constant 60 : i32
    %add3A_45 = vector.broadcast %add3A_44 : i32 to vector<16xi32>
    %add3A_46 = arith.addi %get3A_43, %add3A_45 : vector<16xi32>
    %swap3A_47 = arith.constant 64 : index
    %swap3A_48 = tpu.vector_load %arg6[%swap3A_47] {strides = array<i32>} : memref<96xi32, #tpu.memory_space<vmem>>, vector<16xi32>,
    %swap3A_49 = vector.shape_cast %swap3A_48 : vector<16xi32> to vector<16xi32>
    %swap3A_50 = vector.shape_cast %add3A_46 : vector<16xi32> to vector<16xi32>
    tpu.vector_store %arg6[%swap3A_47], %swap3A_50 {strides = array<i32>} : memref<96xi32, #tpu.memory_space<vmem>>, vector<16xi32>,
    %get3A_51 = arith.constant 16 : index
    %get3A_52 = tpu.vector_load %arg5[%get3A_51] {strides = array<i32>} : memref<32xi32, #tpu.memory_space<vmem>>, vector<16xi32>,
    %get3A_53 = vector.shape_cast %get3A_52 : vector<16xi32> to vector<16xi32>
    %add3A_54 = arith.constant 60 : i32
    %add3A_55 = vector.broadcast %add3A_54 : i32 to vector<16xi32>
    %add3A_56 = arith.addi %get3A_53, %add3A_55 : vector<16xi32>
    %swap3A_57 = arith.constant 80 : index
    %swap3A_58 = tpu.vector_load %arg6[%swap3A_57] {strides = array<i32>} : memref<96xi32, #tpu.memory_space<vmem>>, vector<16xi32>,
    %swap3A_59 = vector.shape_cast %swap3A_58 : vector<16xi32> to vector<16xi32>
    %swap3A_60 = vector.shape_cast %add3A_56 : vector<16xi32> to vector<16xi32>
    tpu.vector_store %arg6[%swap3A_57], %swap3A_60 {strides = array<i32>} : memref<96xi32, #tpu.memory_space<vmem>>, vector<16xi32>,
    %dma_start3A = arith.constant 0 : i32
    %dma_start3A_61 = arith.constant 0 : i32
    %dma_start3A_62 = tpu.memref_slice %arg3[%dma_start3A, %dma_start3A_61] : memref<90x768xf32, #tpu.memory_space<hbm>> -> memref<90x768xf32, #tpu.memory_space<hbm>>
    tpu.enqueue_indirect_dma source(%dma_start3A_62 : memref<90x768xf32, #tpu.memory_space<hbm>>) target(%arg7 : memref<96x768xf32, #tpu.memory_space<vmem>>) offsets(%arg6 : memref<96xi32, #tpu.memory_space<vmem>>) semaphore(%arg8 : memref<!tpu.dma_semaphore, #tpu.memory_space<semaphore_mem>>)
    %dma_wait3A = arith.constant 0 : i32
    %dma_wait3A_63 = arith.constant 0 : i32
    %dma_wait3A_64 = tpu.memref_slice %arg3[%dma_wait3A, %dma_wait3A_63] : memref<90x768xf32, #tpu.memory_space<hbm>> -> memref<90x768xf32, #tpu.memory_space<hbm>>
    tpu.wait_indirect_dma semaphore(%arg8 : memref<!tpu.dma_semaphore, #tpu.memory_space<semaphore_mem>>) src(%dma_wait3A_64 : memref<90x768xf32, #tpu.memory_space<hbm>>) dst(%arg7 : memref<96x768xf32, #tpu.memory_space<vmem>>)
    %run_scoped3A_65 = arith.constant 0 : i32
    "tpu.region"() ({
      %run_scoped3A_208 = tpu.sem_alloc : memref<!tpu.dma_semaphore, #tpu.memory_space<semaphore_mem>>
      %dma_start3A_209 = arith.constant 0 : i32
      %dma_start3A_210 = arith.constant 0 : i32
      %dma_start3A_211 = tpu.memref_slice %arg7[%dma_start3A_209, %dma_start3A_210] : memref<96x768xf32, #tpu.memory_space<vmem>> -> memref<32x768xf32, #tpu.memory_space<vmem>>
      %dma_start3A_212 = arith.constant 0 : i32
      %dma_start3A_213 = tpu.memref_slice %arg4[%run_scoped3A_65, %mul3A_2, %dma_start3A_212] : memref<9x1024x768xf32, #tpu.memory_space<hbm>> -> memref<1x32x768xf32, #tpu.memory_space<hbm>>
      %dma_start3A_214 = tpu.memref_squeeze %dma_start3A_213 : memref<1x32x768xf32, #tpu.memory_space<hbm>> -> memref<32x768xf32, #tpu.memory_space<hbm>>
      %dma_start3A_215 = arith.constant 0 : i32
      %dma_start3A_216 = tpu.memref_slice %arg4[%run_scoped3A_65, %mul3A_2, %dma_start3A_215] : memref<9x1024x768xf32, #tpu.memory_space<hbm>> -> memref<1x32x768xf32, #tpu.memory_space<hbm>>
      %dma_start3A_217 = tpu.memref_squeeze %dma_start3A_216 : memref<1x32x768xf32, #tpu.memory_space<hbm>> -> memref<32x768xf32, #tpu.memory_space<hbm>>
      %dma_start3A_218 = arith.constant 0 : i32
      %dma_start3A_219 = arith.constant 0 : i32
      %dma_start3A_220 = tpu.memref_slice %arg7[%dma_start3A_218, %dma_start3A_219] : memref<96x768xf32, #tpu.memory_space<vmem>> -> memref<32x768xf32, #tpu.memory_space<vmem>>
      tpu.enqueue_dma source(%dma_start3A_220 : memref<32x768xf32, #tpu.memory_space<vmem>>) target(%dma_start3A_217 : memref<32x768xf32, #tpu.memory_space<hbm>>) target_semaphore(%run_scoped3A_208 : memref<!tpu.dma_semaphore, #tpu.memory_space<semaphore_mem>>)
      %dma_wait3A_221 = arith.constant 0 : i32
      %dma_wait3A_222 = arith.constant 0 : i32
      %dma_wait3A_223 = tpu.memref_slice %arg7[%dma_wait3A_221, %dma_wait3A_222] : memref<96x768xf32, #tpu.memory_space<vmem>> -> memref<32x768xf32, #tpu.memory_space<vmem>>
      %dma_wait3A_224 = arith.constant 0 : i32
      %dma_wait3A_225 = tpu.memref_slice %arg4[%run_scoped3A_65, %mul3A_2, %dma_wait3A_224] : memref<9x1024x768xf32, #tpu.memory_space<hbm>> -> memref<1x32x768xf32, #tpu.memory_space<hbm>>
      %dma_wait3A_226 = tpu.memref_squeeze %dma_wait3A_225 : memref<1x32x768xf32, #tpu.memory_space<hbm>> -> memref<32x768xf32, #tpu.memory_space<hbm>>
      %dma_wait3A_227 = arith.constant 0 : i32
      %dma_wait3A_228 = tpu.memref_slice %arg4[%run_scoped3A_65, %mul3A_2, %dma_wait3A_227] : memref<9x1024x768xf32, #tpu.memory_space<hbm>> -> memref<1x32x768xf32, #tpu.memory_space<hbm>>
      %dma_wait3A_229 = tpu.memref_squeeze %dma_wait3A_228 : memref<1x32x768xf32, #tpu.memory_space<hbm>> -> memref<32x768xf32, #tpu.memory_space<hbm>>
      %dma_wait3A_230 = arith.constant 0 : i32
      %dma_wait3A_231 = arith.constant 0 : i32
      %dma_wait3A_232 = tpu.memref_slice %arg7[%dma_wait3A_230, %dma_wait3A_231] : memref<96x768xf32, #tpu.memory_space<vmem>> -> memref<32x768xf32, #tpu.memory_space<vmem>>
      tpu.wait_dma2 semaphore(%run_scoped3A_208 : memref<!tpu.dma_semaphore, #tpu.memory_space<semaphore_mem>>) src(%dma_wait3A_232 : memref<32x768xf32, #tpu.memory_space<vmem>>) dst(%dma_wait3A_229 : memref<32x768xf32, #tpu.memory_space<hbm>>)
      tpu.yield
    }) : () -> ()
    %run_scoped3A_66 = arith.constant 1 : i32
    "tpu.region"() ({
      %run_scoped3A_208 = tpu.sem_alloc : memref<!tpu.dma_semaphore, #tpu.memory_space<semaphore_mem>>
      %dma_start3A_209 = arith.constant 32 : i32
      %dma_start3A_210 = arith.constant 0 : i32
      %dma_start3A_211 = tpu.memref_slice %arg7[%dma_start3A_209, %dma_start3A_210] : memref<96x768xf32, #tpu.memory_space<vmem>> -> memref<32x768xf32, #tpu.memory_space<vmem>>
      %dma_start3A_212 = arith.constant 0 : i32
      %dma_start3A_213 = tpu.memref_slice %arg4[%run_scoped3A_66, %mul3A_2, %dma_start3A_212] : memref<9x1024x768xf32, #tpu.memory_space<hbm>> -> memref<1x32x768xf32, #tpu.memory_space<hbm>>
      %dma_start3A_214 = tpu.memref_squeeze %dma_start3A_213 : memref<1x32x768xf32, #tpu.memory_space<hbm>> -> memref<32x768xf32, #tpu.memory_space<hbm>>
      %dma_start3A_215 = arith.constant 0 : i32
      %dma_start3A_216 = tpu.memref_slice %arg4[%run_scoped3A_66, %mul3A_2, %dma_start3A_215] : memref<9x1024x768xf32, #tpu.memory_space<hbm>> -> memref<1x32x768xf32, #tpu.memory_space<hbm>>
      %dma_start3A_217 = tpu.memref_squeeze %dma_start3A_216 : memref<1x32x768xf32, #tpu.memory_space<hbm>> -> memref<32x768xf32, #tpu.memory_space<hbm>>
      %dma_start3A_218 = arith.constant 32 : i32
      %dma_start3A_219 = arith.constant 0 : i32
      %dma_start3A_220 = tpu.memref_slice %arg7[%dma_start3A_218, %dma_start3A_219] : memref<96x768xf32, #tpu.memory_space<vmem>> -> memref<32x768xf32, #tpu.memory_space<vmem>>
      tpu.enqueue_dma source(%dma_start3A_220 : memref<32x768xf32, #tpu.memory_space<vmem>>) target(%dma_start3A_217 : memref<32x768xf32, #tpu.memory_space<hbm>>) target_semaphore(%run_scoped3A_208 : memref<!tpu.dma_semaphore, #tpu.memory_space<semaphore_mem>>)
      %dma_wait3A_221 = arith.constant 32 : i32
      %dma_wait3A_222 = arith.constant 0 : i32
      %dma_wait3A_223 = tpu.memref_slice %arg7[%dma_wait3A_221, %dma_wait3A_222] : memref<96x768xf32, #tpu.memory_space<vmem>> -> memref<32x768xf32, #tpu.memory_space<vmem>>
      %dma_wait3A_224 = arith.constant 0 : i32
      %dma_wait3A_225 = tpu.memref_slice %arg4[%run_scoped3A_66, %mul3A_2, %dma_wait3A_224] : memref<9x1024x768xf32, #tpu.memory_space<hbm>> -> memref<1x32x768xf32, #tpu.memory_space<hbm>>
      %dma_wait3A_226 = tpu.memref_squeeze %dma_wait3A_225 : memref<1x32x768xf32, #tpu.memory_space<hbm>> -> memref<32x768xf32, #tpu.memory_space<hbm>>
      %dma_wait3A_227 = arith.constant 0 : i32
      %dma_wait3A_228 = tpu.memref_slice %arg4[%run_scoped3A_66, %mul3A_2, %dma_wait3A_227] : memref<9x1024x768xf32, #tpu.memory_space<hbm>> -> memref<1x32x768xf32, #tpu.memory_space<hbm>>
      %dma_wait3A_229 = tpu.memref_squeeze %dma_wait3A_228 : memref<1x32x768xf32, #tpu.memory_space<hbm>> -> memref<32x768xf32, #tpu.memory_space<hbm>>
      %dma_wait3A_230 = arith.constant 32 : i32
      %dma_wait3A_231 = arith.constant 0 : i32
      %dma_wait3A_232 = tpu.memref_slice %arg7[%dma_wait3A_230, %dma_wait3A_231] : memref<96x768xf32, #tpu.memory_space<vmem>> -> memref<32x768xf32, #tpu.memory_space<vmem>>
      tpu.wait_dma2 semaphore(%run_scoped3A_208 : memref<!tpu.dma_semaphore, #tpu.memory_space<semaphore_mem>>) src(%dma_wait3A_232 : memref<32x768xf32, #tpu.memory_space<vmem>>) dst(%dma_wait3A_229 : memref<32x768xf32, #tpu.memory_space<hbm>>)
      tpu.yield
    }) : () -> ()
    %run_scoped3A_67 = arith.constant 2 : i32
    "tpu.region"() ({
      %run_scoped3A_208 = tpu.sem_alloc : memref<!tpu.dma_semaphore, #tpu.memory_space<semaphore_mem>>
      %dma_start3A_209 = arith.constant 64 : i32
      %dma_start3A_210 = arith.constant 0 : i32
      %dma_start3A_211 = tpu.memref_slice %arg7[%dma_start3A_209, %dma_start3A_210] : memref<96x768xf32, #tpu.memory_space<vmem>> -> memref<32x768xf32, #tpu.memory_space<vmem>>
      %dma_start3A_212 = arith.constant 0 : i32
      %dma_start3A_213 = tpu.memref_slice %arg4[%run_scoped3A_67, %mul3A_2, %dma_start3A_212] : memref<9x1024x768xf32, #tpu.memory_space<hbm>> -> memref<1x32x768xf32, #tpu.memory_space<hbm>>
      %dma_start3A_214 = tpu.memref_squeeze %dma_start3A_213 : memref<1x32x768xf32, #tpu.memory_space<hbm>> -> memref<32x768xf32, #tpu.memory_space<hbm>>
      %dma_start3A_215 = arith.constant 0 : i32
      %dma_start3A_216 = tpu.memref_slice %arg4[%run_scoped3A_67, %mul3A_2, %dma_start3A_215] : memref<9x1024x768xf32, #tpu.memory_space<hbm>> -> memref<1x32x768xf32, #tpu.memory_space<hbm>>
      %dma_start3A_217 = tpu.memref_squeeze %dma_start3A_216 : memref<1x32x768xf32, #tpu.memory_space<hbm>> -> memref<32x768xf32, #tpu.memory_space<hbm>>
      %dma_start3A_218 = arith.constant 64 : i32
      %dma_start3A_219 = arith.constant 0 : i32
      %dma_start3A_220 = tpu.memref_slice %arg7[%dma_start3A_218, %dma_start3A_219] : memref<96x768xf32, #tpu.memory_space<vmem>> -> memref<32x768xf32, #tpu.memory_space<vmem>>
      tpu.enqueue_dma source(%dma_start3A_220 : memref<32x768xf32, #tpu.memory_space<vmem>>) target(%dma_start3A_217 : memref<32x768xf32, #tpu.memory_space<hbm>>) target_semaphore(%run_scoped3A_208 : memref<!tpu.dma_semaphore, #tpu.memory_space<semaphore_mem>>)
      %dma_wait3A_221 = arith.constant 64 : i32
      %dma_wait3A_222 = arith.constant 0 : i32
      %dma_wait3A_223 = tpu.memref_slice %arg7[%dma_wait3A_221, %dma_wait3A_222] : memref<96x768xf32, #tpu.memory_space<vmem>> -> memref<32x768xf32, #tpu.memory_space<vmem>>
      %dma_wait3A_224 = arith.constant 0 : i32
      %dma_wait3A_225 = tpu.memref_slice %arg4[%run_scoped3A_67, %mul3A_2, %dma_wait3A_224] : memref<9x1024x768xf32, #tpu.memory_space<hbm>> -> memref<1x32x768xf32, #tpu.memory_space<hbm>>
      %dma_wait3A_226 = tpu.memref_squeeze %dma_wait3A_225 : memref<1x32x768xf32, #tpu.memory_space<hbm>> -> memref<32x768xf32, #tpu.memory_space<hbm>>
      %dma_wait3A_227 = arith.constant 0 : i32
      %dma_wait3A_228 = tpu.memref_slice %arg4[%run_scoped3A_67, %mul3A_2, %dma_wait3A_227] : memref<9x1024x768xf32, #tpu.memory_space<hbm>> -> memref<1x32x768xf32, #tpu.memory_space<hbm>>
      %dma_wait3A_229 = tpu.memref_squeeze %dma_wait3A_228 : memref<1x32x768xf32, #tpu.memory_space<hbm>> -> memref<32x768xf32, #tpu.memory_space<hbm>>
      %dma_wait3A_230 = arith.constant 64 : i32
      %dma_wait3A_231 = arith.constant 0 : i32
      %dma_wait3A_232 = tpu.memref_slice %arg7[%dma_wait3A_230, %dma_wait3A_231] : memref<96x768xf32, #tpu.memory_space<vmem>> -> memref<32x768xf32, #tpu.memory_space<vmem>>
      tpu.wait_dma2 semaphore(%run_scoped3A_208 : memref<!tpu.dma_semaphore, #tpu.memory_space<semaphore_mem>>) src(%dma_wait3A_232 : memref<32x768xf32, #tpu.memory_space<vmem>>) dst(%dma_wait3A_229 : memref<32x768xf32, #tpu.memory_space<hbm>>)
      tpu.yield
    }) : () -> ()
    %run_scoped3A_68 = arith.constant 1 : i32
    "tpu.region"() ({
      %run_scoped3A_208 = tpu.sem_alloc : memref<!tpu.dma_semaphore, #tpu.memory_space<semaphore_mem>>
      %dma_start3A_209 = tpu.memref_slice %arg2[%run_scoped3A_68, %mul3A_2] : memref<3x1024xi32, #tpu.memory_space<hbm>> -> memref<1x32xi32, #tpu.memory_space<hbm>>
      %dma_start3A_210 = tpu.memref_squeeze %dma_start3A_209 : memref<1x32xi32, #tpu.memory_space<hbm>> -> memref<32xi32, #tpu.memory_space<hbm>>
      %dma_start3A_211 = tpu.memref_slice %arg2[%run_scoped3A_68, %mul3A_2] : memref<3x1024xi32, #tpu.memory_space<hbm>> -> memref<1x32xi32, #tpu.memory_space<hbm>>
      %dma_start3A_212 = tpu.memref_squeeze %dma_start3A_211 : memref<1x32xi32, #tpu.memory_space<hbm>> -> memref<32xi32, #tpu.memory_space<hbm>>
      tpu.enqueue_dma source(%dma_start3A_212 : memref<32xi32, #tpu.memory_space<hbm>>) target(%arg5 : memref<32xi32, #tpu.memory_space<vmem>>) target_semaphore(%run_scoped3A_208 : memref<!tpu.dma_semaphore, #tpu.memory_space<semaphore_mem>>)
      %dma_wait3A_213 = tpu.memref_slice %arg2[%run_scoped3A_68, %mul3A_2] : memref<3x1024xi32, #tpu.memory_space<hbm>> -> memref<1x32xi32, #tpu.memory_space<hbm>>
      %dma_wait3A_214 = tpu.memref_squeeze %dma_wait3A_213 : memref<1x32xi32, #tpu.memory_space<hbm>> -> memref<32xi32, #tpu.memory_space<hbm>>
      %dma_wait3A_215 = tpu.memref_slice %arg2[%run_scoped3A_68, %mul3A_2] : memref<3x1024xi32, #tpu.memory_space<hbm>> -> memref<1x32xi32, #tpu.memory_space<hbm>>
      %dma_wait3A_216 = tpu.memref_squeeze %dma_wait3A_215 : memref<1x32xi32, #tpu.memory_space<hbm>> -> memref<32xi32, #tpu.memory_space<hbm>>
      tpu.wait_dma2 semaphore(%run_scoped3A_208 : memref<!tpu.dma_semaphore, #tpu.memory_space<semaphore_mem>>) src(%dma_wait3A_216 : memref<32xi32, #tpu.memory_space<hbm>>) dst(%arg5 : memref<32xi32, #tpu.memory_space<vmem>>)
      tpu.yield
    }) : () -> ()
    %get3A_69 = arith.constant 0 : index
    %get3A_70 = tpu.vector_load %arg5[%get3A_69] {strides = array<i32>} : memref<32xi32, #tpu.memory_space<vmem>>, vector<16xi32>,
    %get3A_71 = vector.shape_cast %get3A_70 : vector<16xi32> to vector<16xi32>
    %add3A_72 = arith.constant 0 : i32
    %add3A_73 = vector.broadcast %add3A_72 : i32 to vector<16xi32>
    %add3A_74 = arith.addi %get3A_71, %add3A_73 : vector<16xi32>
    %swap3A_75 = arith.constant 0 : index
    %swap3A_76 = tpu.vector_load %arg6[%swap3A_75] {strides = array<i32>} : memref<96xi32, #tpu.memory_space<vmem>>, vector<16xi32>,
    %swap3A_77 = vector.shape_cast %swap3A_76 : vector<16xi32> to vector<16xi32>
    %swap3A_78 = vector.shape_cast %add3A_74 : vector<16xi32> to vector<16xi32>
    tpu.vector_store %arg6[%swap3A_75], %swap3A_78 {strides = array<i32>} : memref<96xi32, #tpu.memory_space<vmem>>, vector<16xi32>,
    %get3A_79 = arith.constant 16 : index
    %get3A_80 = tpu.vector_load %arg5[%get3A_79] {strides = array<i32>} : memref<32xi32, #tpu.memory_space<vmem>>, vector<16xi32>,
    %get3A_81 = vector.shape_cast %get3A_80 : vector<16xi32> to vector<16xi32>
    %add3A_82 = arith.constant 0 : i32
    %add3A_83 = vector.broadcast %add3A_82 : i32 to vector<16xi32>
    %add3A_84 = arith.addi %get3A_81, %add3A_83 : vector<16xi32>
    %swap3A_85 = arith.constant 16 : index
    %swap3A_86 = tpu.vector_load %arg6[%swap3A_85] {strides = array<i32>} : memref<96xi32, #tpu.memory_space<vmem>>, vector<16xi32>,
    %swap3A_87 = vector.shape_cast %swap3A_86 : vector<16xi32> to vector<16xi32>
    %swap3A_88 = vector.shape_cast %add3A_84 : vector<16xi32> to vector<16xi32>
    tpu.vector_store %arg6[%swap3A_85], %swap3A_88 {strides = array<i32>} : memref<96xi32, #tpu.memory_space<vmem>>, vector<16xi32>,
    %get3A_89 = arith.constant 0 : index
    %get3A_90 = tpu.vector_load %arg5[%get3A_89] {strides = array<i32>} : memref<32xi32, #tpu.memory_space<vmem>>, vector<16xi32>,
    %get3A_91 = vector.shape_cast %get3A_90 : vector<16xi32> to vector<16xi32>
    %add3A_92 = arith.constant 30 : i32
    %add3A_93 = vector.broadcast %add3A_92 : i32 to vector<16xi32>
    %add3A_94 = arith.addi %get3A_91, %add3A_93 : vector<16xi32>
    %swap3A_95 = arith.constant 32 : index
    %swap3A_96 = tpu.vector_load %arg6[%swap3A_95] {strides = array<i32>} : memref<96xi32, #tpu.memory_space<vmem>>, vector<16xi32>,
    %swap3A_97 = vector.shape_cast %swap3A_96 : vector<16xi32> to vector<16xi32>
    %swap3A_98 = vector.shape_cast %add3A_94 : vector<16xi32> to vector<16xi32>
    tpu.vector_store %arg6[%swap3A_95], %swap3A_98 {strides = array<i32>} : memref<96xi32, #tpu.memory_space<vmem>>, vector<16xi32>,
    %get3A_99 = arith.constant 16 : index
    %get3A_100 = tpu.vector_load %arg5[%get3A_99] {strides = array<i32>} : memref<32xi32, #tpu.memory_space<vmem>>, vector<16xi32>,
    %get3A_101 = vector.shape_cast %get3A_100 : vector<16xi32> to vector<16xi32>
    %add3A_102 = arith.constant 30 : i32
    %add3A_103 = vector.broadcast %add3A_102 : i32 to vector<16xi32>
    %add3A_104 = arith.addi %get3A_101, %add3A_103 : vector<16xi32>
    %swap3A_105 = arith.constant 48 : index
    %swap3A_106 = tpu.vector_load %arg6[%swap3A_105] {strides = array<i32>} : memref<96xi32, #tpu.memory_space<vmem>>, vector<16xi32>,
    %swap3A_107 = vector.shape_cast %swap3A_106 : vector<16xi32> to vector<16xi32>
    %swap3A_108 = vector.shape_cast %add3A_104 : vector<16xi32> to vector<16xi32>
    tpu.vector_store %arg6[%swap3A_105], %swap3A_108 {strides = array<i32>} : memref<96xi32, #tpu.memory_space<vmem>>, vector<16xi32>,
    %get3A_109 = arith.constant 0 : index
    %get3A_110 = tpu.vector_load %arg5[%get3A_109] {strides = array<i32>} : memref<32xi32, #tpu.memory_space<vmem>>, vector<16xi32>,
    %get3A_111 = vector.shape_cast %get3A_110 : vector<16xi32> to vector<16xi32>
    %add3A_112 = arith.constant 60 : i32
    %add3A_113 = vector.broadcast %add3A_112 : i32 to vector<16xi32>
    %add3A_114 = arith.addi %get3A_111, %add3A_113 : vector<16xi32>
    %swap3A_115 = arith.constant 64 : index
    %swap3A_116 = tpu.vector_load %arg6[%swap3A_115] {strides = array<i32>} : memref<96xi32, #tpu.memory_space<vmem>>, vector<16xi32>,
    %swap3A_117 = vector.shape_cast %swap3A_116 : vector<16xi32> to vector<16xi32>
    %swap3A_118 = vector.shape_cast %add3A_114 : vector<16xi32> to vector<16xi32>
    tpu.vector_store %arg6[%swap3A_115], %swap3A_118 {strides = array<i32>} : memref<96xi32, #tpu.memory_space<vmem>>, vector<16xi32>,
    %get3A_119 = arith.constant 16 : index
    %get3A_120 = tpu.vector_load %arg5[%get3A_119] {strides = array<i32>} : memref<32xi32, #tpu.memory_space<vmem>>, vector<16xi32>,
    %get3A_121 = vector.shape_cast %get3A_120 : vector<16xi32> to vector<16xi32>
    %add3A_122 = arith.constant 60 : i32
    %add3A_123 = vector.broadcast %add3A_122 : i32 to vector<16xi32>
    %add3A_124 = arith.addi %get3A_121, %add3A_123 : vector<16xi32>
    %swap3A_125 = arith.constant 80 : index
    %swap3A_126 = tpu.vector_load %arg6[%swap3A_125] {strides = array<i32>} : memref<96xi32, #tpu.memory_space<vmem>>, vector<16xi32>,
    %swap3A_127 = vector.shape_cast %swap3A_126 : vector<16xi32> to vector<16xi32>
    %swap3A_128 = vector.shape_cast %add3A_124 : vector<16xi32> to vector<16xi32>
    tpu.vector_store %arg6[%swap3A_125], %swap3A_128 {strides = array<i32>} : memref<96xi32, #tpu.memory_space<vmem>>, vector<16xi32>,
    %dma_start3A_129 = arith.constant 0 : i32
    %dma_start3A_130 = arith.constant 0 : i32
    %dma_start3A_131 = tpu.memref_slice %arg3[%dma_start3A_129, %dma_start3A_130] : memref<90x768xf32, #tpu.memory_space<hbm>> -> memref<90x768xf32, #tpu.memory_space<hbm>>
    tpu.enqueue_indirect_dma source(%dma_start3A_131 : memref<90x768xf32, #tpu.memory_space<hbm>>) target(%arg7 : memref<96x768xf32, #tpu.memory_space<vmem>>) offsets(%arg6 : memref<96xi32, #tpu.memory_space<vmem>>) semaphore(%arg8 : memref<!tpu.dma_semaphore, #tpu.memory_space<semaphore_mem>>)
    %dma_wait3A_132 = arith.constant 0 : i32
    %dma_wait3A_133 = arith.constant 0 : i32
    %dma_wait3A_134 = tpu.memref_slice %arg3[%dma_wait3A_132, %dma_wait3A_133] : memref<90x768xf32, #tpu.memory_space<hbm>> -> memref<90x768xf32, #tpu.memory_space<hbm>>
    tpu.wait_indirect_dma semaphore(%arg8 : memref<!tpu.dma_semaphore, #tpu.memory_space<semaphore_mem>>) src(%dma_wait3A_134 : memref<90x768xf32, #tpu.memory_space<hbm>>) dst(%arg7 : memref<96x768xf32, #tpu.memory_space<vmem>>)
    %run_scoped3A_135 = arith.constant 3 : i32
    "tpu.region"() ({
      %run_scoped3A_208 = tpu.sem_alloc : memref<!tpu.dma_semaphore, #tpu.memory_space<semaphore_mem>>
      %dma_start3A_209 = arith.constant 0 : i32
      %dma_start3A_210 = arith.constant 0 : i32
      %dma_start3A_211 = tpu.memref_slice %arg7[%dma_start3A_209, %dma_start3A_210] : memref<96x768xf32, #tpu.memory_space<vmem>> -> memref<32x768xf32, #tpu.memory_space<vmem>>
      %dma_start3A_212 = arith.constant 0 : i32
      %dma_start3A_213 = tpu.memref_slice %arg4[%run_scoped3A_135, %mul3A_2, %dma_start3A_212] : memref<9x1024x768xf32, #tpu.memory_space<hbm>> -> memref<1x32x768xf32, #tpu.memory_space<hbm>>
      %dma_start3A_214 = tpu.memref_squeeze %dma_start3A_213 : memref<1x32x768xf32, #tpu.memory_space<hbm>> -> memref<32x768xf32, #tpu.memory_space<hbm>>
      %dma_start3A_215 = arith.constant 0 : i32
      %dma_start3A_216 = tpu.memref_slice %arg4[%run_scoped3A_135, %mul3A_2, %dma_start3A_215] : memref<9x1024x768xf32, #tpu.memory_space<hbm>> -> memref<1x32x768xf32, #tpu.memory_space<hbm>>
      %dma_start3A_217 = tpu.memref_squeeze %dma_start3A_216 : memref<1x32x768xf32, #tpu.memory_space<hbm>> -> memref<32x768xf32, #tpu.memory_space<hbm>>
      %dma_start3A_218 = arith.constant 0 : i32
      %dma_start3A_219 = arith.constant 0 : i32
      %dma_start3A_220 = tpu.memref_slice %arg7[%dma_start3A_218, %dma_start3A_219] : memref<96x768xf32, #tpu.memory_space<vmem>> -> memref<32x768xf32, #tpu.memory_space<vmem>>
      tpu.enqueue_dma source(%dma_start3A_220 : memref<32x768xf32, #tpu.memory_space<vmem>>) target(%dma_start3A_217 : memref<32x768xf32, #tpu.memory_space<hbm>>) target_semaphore(%run_scoped3A_208 : memref<!tpu.dma_semaphore, #tpu.memory_space<semaphore_mem>>)
      %dma_wait3A_221 = arith.constant 0 : i32
      %dma_wait3A_222 = arith.constant 0 : i32
      %dma_wait3A_223 = tpu.memref_slice %arg7[%dma_wait3A_221, %dma_wait3A_222] : memref<96x768xf32, #tpu.memory_space<vmem>> -> memref<32x768xf32, #tpu.memory_space<vmem>>
      %dma_wait3A_224 = arith.constant 0 : i32
      %dma_wait3A_225 = tpu.memref_slice %arg4[%run_scoped3A_135, %mul3A_2, %dma_wait3A_224] : memref<9x1024x768xf32, #tpu.memory_space<hbm>> -> memref<1x32x768xf32, #tpu.memory_space<hbm>>
      %dma_wait3A_226 = tpu.memref_squeeze %dma_wait3A_225 : memref<1x32x768xf32, #tpu.memory_space<hbm>> -> memref<32x768xf32, #tpu.memory_space<hbm>>
      %dma_wait3A_227 = arith.constant 0 : i32
      %dma_wait3A_228 = tpu.memref_slice %arg4[%run_scoped3A_135, %mul3A_2, %dma_wait3A_227] : memref<9x1024x768xf32, #tpu.memory_space<hbm>> -> memref<1x32x768xf32, #tpu.memory_space<hbm>>
      %dma_wait3A_229 = tpu.memref_squeeze %dma_wait3A_228 : memref<1x32x768xf32, #tpu.memory_space<hbm>> -> memref<32x768xf32, #tpu.memory_space<hbm>>
      %dma_wait3A_230 = arith.constant 0 : i32
      %dma_wait3A_231 = arith.constant 0 : i32
      %dma_wait3A_232 = tpu.memref_slice %arg7[%dma_wait3A_230, %dma_wait3A_231] : memref<96x768xf32, #tpu.memory_space<vmem>> -> memref<32x768xf32, #tpu.memory_space<vmem>>
      tpu.wait_dma2 semaphore(%run_scoped3A_208 : memref<!tpu.dma_semaphore, #tpu.memory_space<semaphore_mem>>) src(%dma_wait3A_232 : memref<32x768xf32, #tpu.memory_space<vmem>>) dst(%dma_wait3A_229 : memref<32x768xf32, #tpu.memory_space<hbm>>)
      tpu.yield
    }) : () -> ()
    %run_scoped3A_136 = arith.constant 4 : i32
    "tpu.region"() ({
      %run_scoped3A_208 = tpu.sem_alloc : memref<!tpu.dma_semaphore, #tpu.memory_space<semaphore_mem>>
      %dma_start3A_209 = arith.constant 32 : i32
      %dma_start3A_210 = arith.constant 0 : i32
      %dma_start3A_211 = tpu.memref_slice %arg7[%dma_start3A_209, %dma_start3A_210] : memref<96x768xf32, #tpu.memory_space<vmem>> -> memref<32x768xf32, #tpu.memory_space<vmem>>
      %dma_start3A_212 = arith.constant 0 : i32
      %dma_start3A_213 = tpu.memref_slice %arg4[%run_scoped3A_136, %mul3A_2, %dma_start3A_212] : memref<9x1024x768xf32, #tpu.memory_space<hbm>> -> memref<1x32x768xf32, #tpu.memory_space<hbm>>
      %dma_start3A_214 = tpu.memref_squeeze %dma_start3A_213 : memref<1x32x768xf32, #tpu.memory_space<hbm>> -> memref<32x768xf32, #tpu.memory_space<hbm>>
      %dma_start3A_215 = arith.constant 0 : i32
      %dma_start3A_216 = tpu.memref_slice %arg4[%run_scoped3A_136, %mul3A_2, %dma_start3A_215] : memref<9x1024x768xf32, #tpu.memory_space<hbm>> -> memref<1x32x768xf32, #tpu.memory_space<hbm>>
      %dma_start3A_217 = tpu.memref_squeeze %dma_start3A_216 : memref<1x32x768xf32, #tpu.memory_space<hbm>> -> memref<32x768xf32, #tpu.memory_space<hbm>>
      %dma_start3A_218 = arith.constant 32 : i32
      %dma_start3A_219 = arith.constant 0 : i32
      %dma_start3A_220 = tpu.memref_slice %arg7[%dma_start3A_218, %dma_start3A_219] : memref<96x768xf32, #tpu.memory_space<vmem>> -> memref<32x768xf32, #tpu.memory_space<vmem>>
      tpu.enqueue_dma source(%dma_start3A_220 : memref<32x768xf32, #tpu.memory_space<vmem>>) target(%dma_start3A_217 : memref<32x768xf32, #tpu.memory_space<hbm>>) target_semaphore(%run_scoped3A_208 : memref<!tpu.dma_semaphore, #tpu.memory_space<semaphore_mem>>)
      %dma_wait3A_221 = arith.constant 32 : i32
      %dma_wait3A_222 = arith.constant 0 : i32
      %dma_wait3A_223 = tpu.memref_slice %arg7[%dma_wait3A_221, %dma_wait3A_222] : memref<96x768xf32, #tpu.memory_space<vmem>> -> memref<32x768xf32, #tpu.memory_space<vmem>>
      %dma_wait3A_224 = arith.constant 0 : i32
      %dma_wait3A_225 = tpu.memref_slice %arg4[%run_scoped3A_136, %mul3A_2, %dma_wait3A_224] : memref<9x1024x768xf32, #tpu.memory_space<hbm>> -> memref<1x32x768xf32, #tpu.memory_space<hbm>>
      %dma_wait3A_226 = tpu.memref_squeeze %dma_wait3A_225 : memref<1x32x768xf32, #tpu.memory_space<hbm>> -> memref<32x768xf32, #tpu.memory_space<hbm>>
      %dma_wait3A_227 = arith.constant 0 : i32
      %dma_wait3A_228 = tpu.memref_slice %arg4[%run_scoped3A_136, %mul3A_2, %dma_wait3A_227] : memref<9x1024x768xf32, #tpu.memory_space<hbm>> -> memref<1x32x768xf32, #tpu.memory_space<hbm>>
      %dma_wait3A_229 = tpu.memref_squeeze %dma_wait3A_228 : memref<1x32x768xf32, #tpu.memory_space<hbm>> -> memref<32x768xf32, #tpu.memory_space<hbm>>
      %dma_wait3A_230 = arith.constant 32 : i32
      %dma_wait3A_231 = arith.constant 0 : i32
      %dma_wait3A_232 = tpu.memref_slice %arg7[%dma_wait3A_230, %dma_wait3A_231] : memref<96x768xf32, #tpu.memory_space<vmem>> -> memref<32x768xf32, #tpu.memory_space<vmem>>
      tpu.wait_dma2 semaphore(%run_scoped3A_208 : memref<!tpu.dma_semaphore, #tpu.memory_space<semaphore_mem>>) src(%dma_wait3A_232 : memref<32x768xf32, #tpu.memory_space<vmem>>) dst(%dma_wait3A_229 : memref<32x768xf32, #tpu.memory_space<hbm>>)
      tpu.yield
    }) : () -> ()
    %run_scoped3A_137 = arith.constant 5 : i32
    "tpu.region"() ({
      %run_scoped3A_208 = tpu.sem_alloc : memref<!tpu.dma_semaphore, #tpu.memory_space<semaphore_mem>>
      %dma_start3A_209 = arith.constant 64 : i32
      %dma_start3A_210 = arith.constant 0 : i32
      %dma_start3A_211 = tpu.memref_slice %arg7[%dma_start3A_209, %dma_start3A_210] : memref<96x768xf32, #tpu.memory_space<vmem>> -> memref<32x768xf32, #tpu.memory_space<vmem>>
      %dma_start3A_212 = arith.constant 0 : i32
      %dma_start3A_213 = tpu.memref_slice %arg4[%run_scoped3A_137, %mul3A_2, %dma_start3A_212] : memref<9x1024x768xf32, #tpu.memory_space<hbm>> -> memref<1x32x768xf32, #tpu.memory_space<hbm>>
      %dma_start3A_214 = tpu.memref_squeeze %dma_start3A_213 : memref<1x32x768xf32, #tpu.memory_space<hbm>> -> memref<32x768xf32, #tpu.memory_space<hbm>>
      %dma_start3A_215 = arith.constant 0 : i32
      %dma_start3A_216 = tpu.memref_slice %arg4[%run_scoped3A_137, %mul3A_2, %dma_start3A_215] : memref<9x1024x768xf32, #tpu.memory_space<hbm>> -> memref<1x32x768xf32, #tpu.memory_space<hbm>>
      %dma_start3A_217 = tpu.memref_squeeze %dma_start3A_216 : memref<1x32x768xf32, #tpu.memory_space<hbm>> -> memref<32x768xf32, #tpu.memory_space<hbm>>
      %dma_start3A_218 = arith.constant 64 : i32
      %dma_start3A_219 = arith.constant 0 : i32
      %dma_start3A_220 = tpu.memref_slice %arg7[%dma_start3A_218, %dma_start3A_219] : memref<96x768xf32, #tpu.memory_space<vmem>> -> memref<32x768xf32, #tpu.memory_space<vmem>>
      tpu.enqueue_dma source(%dma_start3A_220 : memref<32x768xf32, #tpu.memory_space<vmem>>) target(%dma_start3A_217 : memref<32x768xf32, #tpu.memory_space<hbm>>) target_semaphore(%run_scoped3A_208 : memref<!tpu.dma_semaphore, #tpu.memory_space<semaphore_mem>>)
      %dma_wait3A_221 = arith.constant 64 : i32
      %dma_wait3A_222 = arith.constant 0 : i32
      %dma_wait3A_223 = tpu.memref_slice %arg7[%dma_wait3A_221, %dma_wait3A_222] : memref<96x768xf32, #tpu.memory_space<vmem>> -> memref<32x768xf32, #tpu.memory_space<vmem>>
      %dma_wait3A_224 = arith.constant 0 : i32
      %dma_wait3A_225 = tpu.memref_slice %arg4[%run_scoped3A_137, %mul3A_2, %dma_wait3A_224] : memref<9x1024x768xf32, #tpu.memory_space<hbm>> -> memref<1x32x768xf32, #tpu.memory_space<hbm>>
      %dma_wait3A_226 = tpu.memref_squeeze %dma_wait3A_225 : memref<1x32x768xf32, #tpu.memory_space<hbm>> -> memref<32x768xf32, #tpu.memory_space<hbm>>
      %dma_wait3A_227 = arith.constant 0 : i32
      %dma_wait3A_228 = tpu.memref_slice %arg4[%run_scoped3A_137, %mul3A_2, %dma_wait3A_227] : memref<9x1024x768xf32, #tpu.memory_space<hbm>> -> memref<1x32x768xf32, #tpu.memory_space<hbm>>
      %dma_wait3A_229 = tpu.memref_squeeze %dma_wait3A_228 : memref<1x32x768xf32, #tpu.memory_space<hbm>> -> memref<32x768xf32, #tpu.memory_space<hbm>>
      %dma_wait3A_230 = arith.constant 64 : i32
      %dma_wait3A_231 = arith.constant 0 : i32
      %dma_wait3A_232 = tpu.memref_slice %arg7[%dma_wait3A_230, %dma_wait3A_231] : memref<96x768xf32, #tpu.memory_space<vmem>> -> memref<32x768xf32, #tpu.memory_space<vmem>>
      tpu.wait_dma2 semaphore(%run_scoped3A_208 : memref<!tpu.dma_semaphore, #tpu.memory_space<semaphore_mem>>) src(%dma_wait3A_232 : memref<32x768xf32, #tpu.memory_space<vmem>>) dst(%dma_wait3A_229 : memref<32x768xf32, #tpu.memory_space<hbm>>)
      tpu.yield
    }) : () -> ()
    %run_scoped3A_138 = arith.constant 2 : i32
    "tpu.region"() ({
      %run_scoped3A_208 = tpu.sem_alloc : memref<!tpu.dma_semaphore, #tpu.memory_space<semaphore_mem>>
      %dma_start3A_209 = tpu.memref_slice %arg2[%run_scoped3A_138, %mul3A_2] : memref<3x1024xi32, #tpu.memory_space<hbm>> -> memref<1x32xi32, #tpu.memory_space<hbm>>
      %dma_start3A_210 = tpu.memref_squeeze %dma_start3A_209 : memref<1x32xi32, #tpu.memory_space<hbm>> -> memref<32xi32, #tpu.memory_space<hbm>>
      %dma_start3A_211 = tpu.memref_slice %arg2[%run_scoped3A_138, %mul3A_2] : memref<3x1024xi32, #tpu.memory_space<hbm>> -> memref<1x32xi32, #tpu.memory_space<hbm>>
      %dma_start3A_212 = tpu.memref_squeeze %dma_start3A_211 : memref<1x32xi32, #tpu.memory_space<hbm>> -> memref<32xi32, #tpu.memory_space<hbm>>
      tpu.enqueue_dma source(%dma_start3A_212 : memref<32xi32, #tpu.memory_space<hbm>>) target(%arg5 : memref<32xi32, #tpu.memory_space<vmem>>) target_semaphore(%run_scoped3A_208 : memref<!tpu.dma_semaphore, #tpu.memory_space<semaphore_mem>>)
      %dma_wait3A_213 = tpu.memref_slice %arg2[%run_scoped3A_138, %mul3A_2] : memref<3x1024xi32, #tpu.memory_space<hbm>> -> memref<1x32xi32, #tpu.memory_space<hbm>>
      %dma_wait3A_214 = tpu.memref_squeeze %dma_wait3A_213 : memref<1x32xi32, #tpu.memory_space<hbm>> -> memref<32xi32, #tpu.memory_space<hbm>>
      %dma_wait3A_215 = tpu.memref_slice %arg2[%run_scoped3A_138, %mul3A_2] : memref<3x1024xi32, #tpu.memory_space<hbm>> -> memref<1x32xi32, #tpu.memory_space<hbm>>
      %dma_wait3A_216 = tpu.memref_squeeze %dma_wait3A_215 : memref<1x32xi32, #tpu.memory_space<hbm>> -> memref<32xi32, #tpu.memory_space<hbm>>
      tpu.wait_dma2 semaphore(%run_scoped3A_208 : memref<!tpu.dma_semaphore, #tpu.memory_space<semaphore_mem>>) src(%dma_wait3A_216 : memref<32xi32, #tpu.memory_space<hbm>>) dst(%arg5 : memref<32xi32, #tpu.memory_space<vmem>>)
      tpu.yield
    }) : () -> ()
    %get3A_139 = arith.constant 0 : index
    %get3A_140 = tpu.vector_load %arg5[%get3A_139] {strides = array<i32>} : memref<32xi32, #tpu.memory_space<vmem>>, vector<16xi32>,
    %get3A_141 = vector.shape_cast %get3A_140 : vector<16xi32> to vector<16xi32>
    %add3A_142 = arith.constant 0 : i32
    %add3A_143 = vector.broadcast %add3A_142 : i32 to vector<16xi32>
    %add3A_144 = arith.addi %get3A_141, %add3A_143 : vector<16xi32>
    %swap3A_145 = arith.constant 0 : index
    %swap3A_146 = tpu.vector_load %arg6[%swap3A_145] {strides = array<i32>} : memref<96xi32, #tpu.memory_space<vmem>>, vector<16xi32>,
    %swap3A_147 = vector.shape_cast %swap3A_146 : vector<16xi32> to vector<16xi32>
    %swap3A_148 = vector.shape_cast %add3A_144 : vector<16xi32> to vector<16xi32>
    tpu.vector_store %arg6[%swap3A_145], %swap3A_148 {strides = array<i32>} : memref<96xi32, #tpu.memory_space<vmem>>, vector<16xi32>,
    %get3A_149 = arith.constant 16 : index
    %get3A_150 = tpu.vector_load %arg5[%get3A_149] {strides = array<i32>} : memref<32xi32, #tpu.memory_space<vmem>>, vector<16xi32>,
    %get3A_151 = vector.shape_cast %get3A_150 : vector<16xi32> to vector<16xi32>
    %add3A_152 = arith.constant 0 : i32
    %add3A_153 = vector.broadcast %add3A_152 : i32 to vector<16xi32>
    %add3A_154 = arith.addi %get3A_151, %add3A_153 : vector<16xi32>
    %swap3A_155 = arith.constant 16 : index
    %swap3A_156 = tpu.vector_load %arg6[%swap3A_155] {strides = array<i32>} : memref<96xi32, #tpu.memory_space<vmem>>, vector<16xi32>,
    %swap3A_157 = vector.shape_cast %swap3A_156 : vector<16xi32> to vector<16xi32>
    %swap3A_158 = vector.shape_cast %add3A_154 : vector<16xi32> to vector<16xi32>
    tpu.vector_store %arg6[%swap3A_155], %swap3A_158 {strides = array<i32>} : memref<96xi32, #tpu.memory_space<vmem>>, vector<16xi32>,
    %get3A_159 = arith.constant 0 : index
    %get3A_160 = tpu.vector_load %arg5[%get3A_159] {strides = array<i32>} : memref<32xi32, #tpu.memory_space<vmem>>, vector<16xi32>,
    %get3A_161 = vector.shape_cast %get3A_160 : vector<16xi32> to vector<16xi32>
    %add3A_162 = arith.constant 30 : i32
    %add3A_163 = vector.broadcast %add3A_162 : i32 to vector<16xi32>
    %add3A_164 = arith.addi %get3A_161, %add3A_163 : vector<16xi32>
    %swap3A_165 = arith.constant 32 : index
    %swap3A_166 = tpu.vector_load %arg6[%swap3A_165] {strides = array<i32>} : memref<96xi32, #tpu.memory_space<vmem>>, vector<16xi32>,
    %swap3A_167 = vector.shape_cast %swap3A_166 : vector<16xi32> to vector<16xi32>
    %swap3A_168 = vector.shape_cast %add3A_164 : vector<16xi32> to vector<16xi32>
    tpu.vector_store %arg6[%swap3A_165], %swap3A_168 {strides = array<i32>} : memref<96xi32, #tpu.memory_space<vmem>>, vector<16xi32>,
    %get3A_169 = arith.constant 16 : index
    %get3A_170 = tpu.vector_load %arg5[%get3A_169] {strides = array<i32>} : memref<32xi32, #tpu.memory_space<vmem>>, vector<16xi32>,
    %get3A_171 = vector.shape_cast %get3A_170 : vector<16xi32> to vector<16xi32>
    %add3A_172 = arith.constant 30 : i32
    %add3A_173 = vector.broadcast %add3A_172 : i32 to vector<16xi32>
    %add3A_174 = arith.addi %get3A_171, %add3A_173 : vector<16xi32>
    %swap3A_175 = arith.constant 48 : index
    %swap3A_176 = tpu.vector_load %arg6[%swap3A_175] {strides = array<i32>} : memref<96xi32, #tpu.memory_space<vmem>>, vector<16xi32>,
    %swap3A_177 = vector.shape_cast %swap3A_176 : vector<16xi32> to vector<16xi32>
    %swap3A_178 = vector.shape_cast %add3A_174 : vector<16xi32> to vector<16xi32>
    tpu.vector_store %arg6[%swap3A_175], %swap3A_178 {strides = array<i32>} : memref<96xi32, #tpu.memory_space<vmem>>, vector<16xi32>,
    %get3A_179 = arith.constant 0 : index
    %get3A_180 = tpu.vector_load %arg5[%get3A_179] {strides = array<i32>} : memref<32xi32, #tpu.memory_space<vmem>>, vector<16xi32>,
    %get3A_181 = vector.shape_cast %get3A_180 : vector<16xi32> to vector<16xi32>
    %add3A_182 = arith.constant 60 : i32
    %add3A_183 = vector.broadcast %add3A_182 : i32 to vector<16xi32>
    %add3A_184 = arith.addi %get3A_181, %add3A_183 : vector<16xi32>
    %swap3A_185 = arith.constant 64 : index
    %swap3A_186 = tpu.vector_load %arg6[%swap3A_185] {strides = array<i32>} : memref<96xi32, #tpu.memory_space<vmem>>, vector<16xi32>,
    %swap3A_187 = vector.shape_cast %swap3A_186 : vector<16xi32> to vector<16xi32>
    %swap3A_188 = vector.shape_cast %add3A_184 : vector<16xi32> to vector<16xi32>
    tpu.vector_store %arg6[%swap3A_185], %swap3A_188 {strides = array<i32>} : memref<96xi32, #tpu.memory_space<vmem>>, vector<16xi32>,
    %get3A_189 = arith.constant 16 : index
    %get3A_190 = tpu.vector_load %arg5[%get3A_189] {strides = array<i32>} : memref<32xi32, #tpu.memory_space<vmem>>, vector<16xi32>,
    %get3A_191 = vector.shape_cast %get3A_190 : vector<16xi32> to vector<16xi32>
    %add3A_192 = arith.constant 60 : i32
    %add3A_193 = vector.broadcast %add3A_192 : i32 to vector<16xi32>
    %add3A_194 = arith.addi %get3A_191, %add3A_193 : vector<16xi32>
    %swap3A_195 = arith.constant 80 : index
    %swap3A_196 = tpu.vector_load %arg6[%swap3A_195] {strides = array<i32>} : memref<96xi32, #tpu.memory_space<vmem>>, vector<16xi32>,
    %swap3A_197 = vector.shape_cast %swap3A_196 : vector<16xi32> to vector<16xi32>
    %swap3A_198 = vector.shape_cast %add3A_194 : vector<16xi32> to vector<16xi32>
    tpu.vector_store %arg6[%swap3A_195], %swap3A_198 {strides = array<i32>} : memref<96xi32, #tpu.memory_space<vmem>>, vector<16xi32>,
    %dma_start3A_199 = arith.constant 0 : i32
    %dma_start3A_200 = arith.constant 0 : i32
    %dma_start3A_201 = tpu.memref_slice %arg3[%dma_start3A_199, %dma_start3A_200] : memref<90x768xf32, #tpu.memory_space<hbm>> -> memref<90x768xf32, #tpu.memory_space<hbm>>
    tpu.enqueue_indirect_dma source(%dma_start3A_201 : memref<90x768xf32, #tpu.memory_space<hbm>>) target(%arg7 : memref<96x768xf32, #tpu.memory_space<vmem>>) offsets(%arg6 : memref<96xi32, #tpu.memory_space<vmem>>) semaphore(%arg8 : memref<!tpu.dma_semaphore, #tpu.memory_space<semaphore_mem>>)
    %dma_wait3A_202 = arith.constant 0 : i32
    %dma_wait3A_203 = arith.constant 0 : i32
    %dma_wait3A_204 = tpu.memref_slice %arg3[%dma_wait3A_202, %dma_wait3A_203] : memref<90x768xf32, #tpu.memory_space<hbm>> -> memref<90x768xf32, #tpu.memory_space<hbm>>
    tpu.wait_indirect_dma semaphore(%arg8 : memref<!tpu.dma_semaphore, #tpu.memory_space<semaphore_mem>>) src(%dma_wait3A_204 : memref<90x768xf32, #tpu.memory_space<hbm>>) dst(%arg7 : memref<96x768xf32, #tpu.memory_space<vmem>>)
    %run_scoped3A_205 = arith.constant 6 : i32
    "tpu.region"() ({
      %run_scoped3A_208 = tpu.sem_alloc : memref<!tpu.dma_semaphore, #tpu.memory_space<semaphore_mem>>
      %dma_start3A_209 = arith.constant 0 : i32
      %dma_start3A_210 = arith.constant 0 : i32
      %dma_start3A_211 = tpu.memref_slice %arg7[%dma_start3A_209, %dma_start3A_210] : memref<96x768xf32, #tpu.memory_space<vmem>> -> memref<32x768xf32, #tpu.memory_space<vmem>>
      %dma_start3A_212 = arith.constant 0 : i32
      %dma_start3A_213 = tpu.memref_slice %arg4[%run_scoped3A_205, %mul3A_2, %dma_start3A_212] : memref<9x1024x768xf32, #tpu.memory_space<hbm>> -> memref<1x32x768xf32, #tpu.memory_space<hbm>>
      %dma_start3A_214 = tpu.memref_squeeze %dma_start3A_213 : memref<1x32x768xf32, #tpu.memory_space<hbm>> -> memref<32x768xf32, #tpu.memory_space<hbm>>
      %dma_start3A_215 = arith.constant 0 : i32
      %dma_start3A_216 = tpu.memref_slice %arg4[%run_scoped3A_205, %mul3A_2, %dma_start3A_215] : memref<9x1024x768xf32, #tpu.memory_space<hbm>> -> memref<1x32x768xf32, #tpu.memory_space<hbm>>
      %dma_start3A_217 = tpu.memref_squeeze %dma_start3A_216 : memref<1x32x768xf32, #tpu.memory_space<hbm>> -> memref<32x768xf32, #tpu.memory_space<hbm>>
      %dma_start3A_218 = arith.constant 0 : i32
      %dma_start3A_219 = arith.constant 0 : i32
      %dma_start3A_220 = tpu.memref_slice %arg7[%dma_start3A_218, %dma_start3A_219] : memref<96x768xf32, #tpu.memory_space<vmem>> -> memref<32x768xf32, #tpu.memory_space<vmem>>
      tpu.enqueue_dma source(%dma_start3A_220 : memref<32x768xf32, #tpu.memory_space<vmem>>) target(%dma_start3A_217 : memref<32x768xf32, #tpu.memory_space<hbm>>) target_semaphore(%run_scoped3A_208 : memref<!tpu.dma_semaphore, #tpu.memory_space<semaphore_mem>>)
      %dma_wait3A_221 = arith.constant 0 : i32
      %dma_wait3A_222 = arith.constant 0 : i32
      %dma_wait3A_223 = tpu.memref_slice %arg7[%dma_wait3A_221, %dma_wait3A_222] : memref<96x768xf32, #tpu.memory_space<vmem>> -> memref<32x768xf32, #tpu.memory_space<vmem>>
      %dma_wait3A_224 = arith.constant 0 : i32
      %dma_wait3A_225 = tpu.memref_slice %arg4[%run_scoped3A_205, %mul3A_2, %dma_wait3A_224] : memref<9x1024x768xf32, #tpu.memory_space<hbm>> -> memref<1x32x768xf32, #tpu.memory_space<hbm>>
      %dma_wait3A_226 = tpu.memref_squeeze %dma_wait3A_225 : memref<1x32x768xf32, #tpu.memory_space<hbm>> -> memref<32x768xf32, #tpu.memory_space<hbm>>
      %dma_wait3A_227 = arith.constant 0 : i32
      %dma_wait3A_228 = tpu.memref_slice %arg4[%run_scoped3A_205, %mul3A_2, %dma_wait3A_227] : memref<9x1024x768xf32, #tpu.memory_space<hbm>> -> memref<1x32x768xf32, #tpu.memory_space<hbm>>
      %dma_wait3A_229 = tpu.memref_squeeze %dma_wait3A_228 : memref<1x32x768xf32, #tpu.memory_space<hbm>> -> memref<32x768xf32, #tpu.memory_space<hbm>>
      %dma_wait3A_230 = arith.constant 0 : i32
      %dma_wait3A_231 = arith.constant 0 : i32
      %dma_wait3A_232 = tpu.memref_slice %arg7[%dma_wait3A_230, %dma_wait3A_231] : memref<96x768xf32, #tpu.memory_space<vmem>> -> memref<32x768xf32, #tpu.memory_space<vmem>>
      tpu.wait_dma2 semaphore(%run_scoped3A_208 : memref<!tpu.dma_semaphore, #tpu.memory_space<semaphore_mem>>) src(%dma_wait3A_232 : memref<32x768xf32, #tpu.memory_space<vmem>>) dst(%dma_wait3A_229 : memref<32x768xf32, #tpu.memory_space<hbm>>)
      tpu.yield
    }) : () -> ()
    %run_scoped3A_206 = arith.constant 7 : i32
    "tpu.region"() ({
      %run_scoped3A_208 = tpu.sem_alloc : memref<!tpu.dma_semaphore, #tpu.memory_space<semaphore_mem>>
      %dma_start3A_209 = arith.constant 32 : i32
      %dma_start3A_210 = arith.constant 0 : i32
      %dma_start3A_211 = tpu.memref_slice %arg7[%dma_start3A_209, %dma_start3A_210] : memref<96x768xf32, #tpu.memory_space<vmem>> -> memref<32x768xf32, #tpu.memory_space<vmem>>
      %dma_start3A_212 = arith.constant 0 : i32
      %dma_start3A_213 = tpu.memref_slice %arg4[%run_scoped3A_206, %mul3A_2, %dma_start3A_212] : memref<9x1024x768xf32, #tpu.memory_space<hbm>> -> memref<1x32x768xf32, #tpu.memory_space<hbm>>
      %dma_start3A_214 = tpu.memref_squeeze %dma_start3A_213 : memref<1x32x768xf32, #tpu.memory_space<hbm>> -> memref<32x768xf32, #tpu.memory_space<hbm>>
      %dma_start3A_215 = arith.constant 0 : i32
      %dma_start3A_216 = tpu.memref_slice %arg4[%run_scoped3A_206, %mul3A_2, %dma_start3A_215] : memref<9x1024x768xf32, #tpu.memory_space<hbm>> -> memref<1x32x768xf32, #tpu.memory_space<hbm>>
      %dma_start3A_217 = tpu.memref_squeeze %dma_start3A_216 : memref<1x32x768xf32, #tpu.memory_space<hbm>> -> memref<32x768xf32, #tpu.memory_space<hbm>>
      %dma_start3A_218 = arith.constant 32 : i32
      %dma_start3A_219 = arith.constant 0 : i32
      %dma_start3A_220 = tpu.memref_slice %arg7[%dma_start3A_218, %dma_start3A_219] : memref<96x768xf32, #tpu.memory_space<vmem>> -> memref<32x768xf32, #tpu.memory_space<vmem>>
      tpu.enqueue_dma source(%dma_start3A_220 : memref<32x768xf32, #tpu.memory_space<vmem>>) target(%dma_start3A_217 : memref<32x768xf32, #tpu.memory_space<hbm>>) target_semaphore(%run_scoped3A_208 : memref<!tpu.dma_semaphore, #tpu.memory_space<semaphore_mem>>)
      %dma_wait3A_221 = arith.constant 32 : i32
      %dma_wait3A_222 = arith.constant 0 : i32
      %dma_wait3A_223 = tpu.memref_slice %arg7[%dma_wait3A_221, %dma_wait3A_222] : memref<96x768xf32, #tpu.memory_space<vmem>> -> memref<32x768xf32, #tpu.memory_space<vmem>>
      %dma_wait3A_224 = arith.constant 0 : i32
      %dma_wait3A_225 = tpu.memref_slice %arg4[%run_scoped3A_206, %mul3A_2, %dma_wait3A_224] : memref<9x1024x768xf32, #tpu.memory_space<hbm>> -> memref<1x32x768xf32, #tpu.memory_space<hbm>>
      %dma_wait3A_226 = tpu.memref_squeeze %dma_wait3A_225 : memref<1x32x768xf32, #tpu.memory_space<hbm>> -> memref<32x768xf32, #tpu.memory_space<hbm>>
      %dma_wait3A_227 = arith.constant 0 : i32
      %dma_wait3A_228 = tpu.memref_slice %arg4[%run_scoped3A_206, %mul3A_2, %dma_wait3A_227] : memref<9x1024x768xf32, #tpu.memory_space<hbm>> -> memref<1x32x768xf32, #tpu.memory_space<hbm>>
      %dma_wait3A_229 = tpu.memref_squeeze %dma_wait3A_228 : memref<1x32x768xf32, #tpu.memory_space<hbm>> -> memref<32x768xf32, #tpu.memory_space<hbm>>
      %dma_wait3A_230 = arith.constant 32 : i32
      %dma_wait3A_231 = arith.constant 0 : i32
      %dma_wait3A_232 = tpu.memref_slice %arg7[%dma_wait3A_230, %dma_wait3A_231] : memref<96x768xf32, #tpu.memory_space<vmem>> -> memref<32x768xf32, #tpu.memory_space<vmem>>
      tpu.wait_dma2 semaphore(%run_scoped3A_208 : memref<!tpu.dma_semaphore, #tpu.memory_space<semaphore_mem>>) src(%dma_wait3A_232 : memref<32x768xf32, #tpu.memory_space<vmem>>) dst(%dma_wait3A_229 : memref<32x768xf32, #tpu.memory_space<hbm>>)
      tpu.yield
    }) : () -> ()
    %run_scoped3A_207 = arith.constant 8 : i32
    "tpu.region"() ({
      %run_scoped3A_208 = tpu.sem_alloc : memref<!tpu.dma_semaphore, #tpu.memory_space<semaphore_mem>>
      %dma_start3A_209 = arith.constant 64 : i32
      %dma_start3A_210 = arith.constant 0 : i32
      %dma_start3A_211 = tpu.memref_slice %arg7[%dma_start3A_209, %dma_start3A_210] : memref<96x768xf32, #tpu.memory_space<vmem>> -> memref<32x768xf32, #tpu.memory_space<vmem>>
      %dma_start3A_212 = arith.constant 0 : i32
      %dma_start3A_213 = tpu.memref_slice %arg4[%run_scoped3A_207, %mul3A_2, %dma_start3A_212] : memref<9x1024x768xf32, #tpu.memory_space<hbm>> -> memref<1x32x768xf32, #tpu.memory_space<hbm>>
      %dma_start3A_214 = tpu.memref_squeeze %dma_start3A_213 : memref<1x32x768xf32, #tpu.memory_space<hbm>> -> memref<32x768xf32, #tpu.memory_space<hbm>>
      %dma_start3A_215 = arith.constant 0 : i32
      %dma_start3A_216 = tpu.memref_slice %arg4[%run_scoped3A_207, %mul3A_2, %dma_start3A_215] : memref<9x1024x768xf32, #tpu.memory_space<hbm>> -> memref<1x32x768xf32, #tpu.memory_space<hbm>>
      %dma_start3A_217 = tpu.memref_squeeze %dma_start3A_216 : memref<1x32x768xf32, #tpu.memory_space<hbm>> -> memref<32x768xf32, #tpu.memory_space<hbm>>
      %dma_start3A_218 = arith.constant 64 : i32
      %dma_start3A_219 = arith.constant 0 : i32
      %dma_start3A_220 = tpu.memref_slice %arg7[%dma_start3A_218, %dma_start3A_219] : memref<96x768xf32, #tpu.memory_space<vmem>> -> memref<32x768xf32, #tpu.memory_space<vmem>>
      tpu.enqueue_dma source(%dma_start3A_220 : memref<32x768xf32, #tpu.memory_space<vmem>>) target(%dma_start3A_217 : memref<32x768xf32, #tpu.memory_space<hbm>>) target_semaphore(%run_scoped3A_208 : memref<!tpu.dma_semaphore, #tpu.memory_space<semaphore_mem>>)
      %dma_wait3A_221 = arith.constant 64 : i32
      %dma_wait3A_222 = arith.constant 0 : i32
      %dma_wait3A_223 = tpu.memref_slice %arg7[%dma_wait3A_221, %dma_wait3A_222] : memref<96x768xf32, #tpu.memory_space<vmem>> -> memref<32x768xf32, #tpu.memory_space<vmem>>
      %dma_wait3A_224 = arith.constant 0 : i32
      %dma_wait3A_225 = tpu.memref_slice %arg4[%run_scoped3A_207, %mul3A_2, %dma_wait3A_224] : memref<9x1024x768xf32, #tpu.memory_space<hbm>> -> memref<1x32x768xf32, #tpu.memory_space<hbm>>
      %dma_wait3A_226 = tpu.memref_squeeze %dma_wait3A_225 : memref<1x32x768xf32, #tpu.memory_space<hbm>> -> memref<32x768xf32, #tpu.memory_space<hbm>>
      %dma_wait3A_227 = arith.constant 0 : i32
      %dma_wait3A_228 = tpu.memref_slice %arg4[%run_scoped3A_207, %mul3A_2, %dma_wait3A_227] : memref<9x1024x768xf32, #tpu.memory_space<hbm>> -> memref<1x32x768xf32, #tpu.memory_space<hbm>>
      %dma_wait3A_229 = tpu.memref_squeeze %dma_wait3A_228 : memref<1x32x768xf32, #tpu.memory_space<hbm>> -> memref<32x768xf32, #tpu.memory_space<hbm>>
      %dma_wait3A_230 = arith.constant 64 : i32
      %dma_wait3A_231 = arith.constant 0 : i32
      %dma_wait3A_232 = tpu.memref_slice %arg7[%dma_wait3A_230, %dma_wait3A_231] : memref<96x768xf32, #tpu.memory_space<vmem>> -> memref<32x768xf32, #tpu.memory_space<vmem>>
      tpu.wait_dma2 semaphore(%run_scoped3A_208 : memref<!tpu.dma_semaphore, #tpu.memory_space<semaphore_mem>>) src(%dma_wait3A_232 : memref<32x768xf32, #tpu.memory_space<vmem>>) dst(%dma_wait3A_229 : memref<32x768xf32, #tpu.memory_space<hbm>>)
      tpu.yield
    }) : () -> ()
    return
  }
}

module attributes {stable_mosaic.version = 14 : i64} {
  func.func @_matvec_body(%arg0: i32, %arg1: memref<32x64x768xf32, #tpu.memory_space<vmem>>, %arg2: memref<1x64xf32, #tpu.memory_space<vmem>>, %arg3: memref<32x768xf32, #tpu.memory_space<vmem>>) attributes {dimension_semantics = [#tpu.dimension_semantics<arbitrary>], iteration_bounds = array<i64: 32>, scalar_prefetch = 0 : i64, scratch_operands = 0 : i64, tpu.core_type = #tpu.core_type<tc>, window_params = [{transform_indices = @transform_0, window_bounds = array<i64: 32, 64, 768>}, {pipeline_mode = #tpu.pipeline_mode<synchronous>, transform_indices = @transform_1, window_bounds = array<i64: 1, 64>}, {transform_indices = @transform_2, window_bounds = array<i64: 32, 768>}]} {
    %get3A = arith.constant 0 : index
    %get3A_0 = arith.constant 0 : index
    %get3A_1 = arith.constant 0 : index
    %get3A_2 = vector.load %arg1[%get3A, %get3A_0, %get3A_1] : memref<32x64x768xf32, #tpu.memory_space<vmem>>, vector<32x64x768xf32>
    %reshape3A = vector.shape_cast %get3A_2 : vector<32x64x768xf32> to vector<2048x768xf32>
    %get3A_3 = arith.constant 0 : index
    %get3A_4 = arith.constant 0 : index
    %get3A_5 = vector.load %arg2[%get3A_3, %get3A_4] : memref<1x64xf32, #tpu.memory_space<vmem>>, vector<1x64xf32>
    %concatenate3A = tpu.concatenate %get3A_5, %get3A_5, %get3A_5, %get3A_5, %get3A_5, %get3A_5, %get3A_5, %get3A_5, %get3A_5, %get3A_5, %get3A_5, %get3A_5, %get3A_5, %get3A_5, %get3A_5, %get3A_5, %get3A_5, %get3A_5, %get3A_5, %get3A_5, %get3A_5, %get3A_5, %get3A_5, %get3A_5, %get3A_5, %get3A_5, %get3A_5, %get3A_5, %get3A_5, %get3A_5, %get3A_5, %get3A_5 in 1 : vector<1x64xf32>, vector<1x64xf32>, vector<1x64xf32>, vector<1x64xf32>, vector<1x64xf32>, vector<1x64xf32>, vector<1x64xf32>, vector<1x64xf32>, vector<1x64xf32>, vector<1x64xf32>, vector<1x64xf32>, vector<1x64xf32>, vector<1x64xf32>, vector<1x64xf32>, vector<1x64xf32>, vector<1x64xf32>, vector<1x64xf32>, vector<1x64xf32>, vector<1x64xf32>, vector<1x64xf32>, vector<1x64xf32>, vector<1x64xf32>, vector<1x64xf32>, vector<1x64xf32>, vector<1x64xf32>, vector<1x64xf32>, vector<1x64xf32>, vector<1x64xf32>, vector<1x64xf32>, vector<1x64xf32>, vector<1x64xf32>, vector<1x64xf32> -> vector<1x2048xf32>
    %iota3A = tpu.iota {dimensions = array<i32: 0>} : vector<32x2048xi32>
    %iota3A_6 = tpu.iota {dimensions = array<i32: 1>} : vector<32x2048xi32>
    %jit3A = arith.constant 64 : i32
    %div3A = vector.broadcast %jit3A : i32 to vector<32x2048xi32>
    %div3A_7 = arith.divsi %iota3A_6, %div3A : vector<32x2048xi32>
    %sign3A = arith.constant 0 : i32
    %sign3A_8 = vector.broadcast %sign3A : i32 to vector<32x2048xi32>
    %sign3A_9 = arith.cmpi sgt, %iota3A_6, %sign3A_8 : vector<32x2048xi32>
    %sign3A_10 = arith.extui %sign3A_9 : vector<32x2048xi1> to vector<32x2048xi32>
    %sign3A_11 = arith.constant 0 : i32
    %sign3A_12 = vector.broadcast %sign3A_11 : i32 to vector<32x2048xi32>
    %sign3A_13 = arith.cmpi slt, %iota3A_6, %sign3A_12 : vector<32x2048xi32>
    %sign3A_14 = arith.extui %sign3A_13 : vector<32x2048xi1> to vector<32x2048xi32>
    %sign3A_15 = arith.subi %sign3A_10, %sign3A_14 : vector<32x2048xi32>
    %sign3A_16 = arith.constant 0 : i32
    %sign3A_17 = arith.cmpi sgt, %jit3A, %sign3A_16 : i32
    %sign3A_18 = arith.extui %sign3A_17 : i1 to i32
    %sign3A_19 = arith.constant 0 : i32
    %sign3A_20 = arith.cmpi slt, %jit3A, %sign3A_19 : i32
    %sign3A_21 = arith.extui %sign3A_20 : i1 to i32
    %sign3A_22 = arith.subi %sign3A_18, %sign3A_21 : i32
    %ne3A = vector.broadcast %sign3A_22 : i32 to vector<32x2048xi32>
    %ne3A_23 = arith.cmpi ne, %sign3A_15, %ne3A : vector<32x2048xi32>
    %rem3A = vector.broadcast %jit3A : i32 to vector<32x2048xi32>
    %rem3A_24 = arith.remsi %iota3A_6, %rem3A : vector<32x2048xi32>
    %ne3A_25 = arith.constant 0 : i32
    %ne3A_26 = vector.broadcast %ne3A_25 : i32 to vector<32x2048xi32>
    %ne3A_27 = arith.cmpi ne, %rem3A_24, %ne3A_26 : vector<32x2048xi32>
    %and3A = arith.andi %ne3A_23, %ne3A_27 : vector<32x2048xi1>
    %sub3A = arith.constant 1 : i32
    %sub3A_28 = vector.broadcast %sub3A : i32 to vector<32x2048xi32>
    %sub3A_29 = arith.subi %div3A_7, %sub3A_28 : vector<32x2048xi32>
    %select_n3A = arith.select %and3A, %sub3A_29, %div3A_7 : vector<32x2048xi1>, vector<32x2048xi32>
    %eq3A = arith.cmpi eq, %select_n3A, %iota3A : vector<32x2048xi32>
    %broadcast_in_dim3A = vector.shape_cast %concatenate3A : vector<1x2048xf32> to vector<1x2048xf32>
    %broadcast_in_dim3A_30 = vector.broadcast %broadcast_in_dim3A : vector<1x2048xf32> to vector<32x2048xf32>
    %jit3A_31 = arith.constant 0.000000e+00 : f32
    %broadcast_in_dim3A_32 = vector.broadcast %jit3A_31 : f32 to vector<32x2048xf32>
    %select_n3A_33 = arith.select %eq3A, %broadcast_in_dim3A_30, %broadcast_in_dim3A_32 : vector<32x2048xi1>, vector<32x2048xf32>
    %dot_general3A = arith.constant dense<0.000000e+00> : vector<32x768xf32>
    %dot_general3A_34 = tpu.matmul %select_n3A_33, %reshape3A, %dot_general3A {dimension_numbers = #tpu.dot_dimension_numbers<[1], [0], [0], [1], [0, 0, 1, 1], [], []>, transpose_lhs_hint = false} : vector<32x2048xf32>, vector<2048x768xf32>, vector<32x768xf32> -> vector<32x768xf32>
    %swap3A = arith.constant 0 : index
    %swap3A_35 = arith.constant 0 : index
    %swap3A_36 = vector.load %arg3[%swap3A, %swap3A_35] : memref<32x768xf32, #tpu.memory_space<vmem>>, vector<32x768xf32>
    tpu.vector_store %arg3[%swap3A, %swap3A_35], %dot_general3A_34 {strides = array<i32>} : memref<32x768xf32, #tpu.memory_space<vmem>>, vector<32x768xf32>,
    return
  }
  func.func @transform_0(%arg0: i32) -> (i32, i32, i32) {
    %c0_i32 = arith.constant 0 : i32
    %c0_i32_0 = arith.constant 0 : i32
    %c0_i32_1 = arith.constant 0 : i32
    return %arg0, %c0_i32, %c0_i32_0 : i32, i32, i32
  }
  func.func @transform_1(%arg0: i32) -> (i32, i32) {
    %c0_i32 = arith.constant 0 : i32
    %c0_i32_0 = arith.constant 0 : i32
    %c0_i32_1 = arith.constant 0 : i32
    return %c0_i32, %c0_i32_0 : i32, i32
  }
  func.func @transform_2(%arg0: i32) -> (i32, i32) {
    %c0_i32 = arith.constant 0 : i32
    %c0_i32_0 = arith.constant 0 : i32
    return %arg0, %c0_i32 : i32, i32
  }
}

module attributes {stable_mosaic.version = 14 : i64} {
  func.func @_route_body(%arg0: i32, %arg1: memref<1024x768xf32, #tpu.memory_space<vmem>>, %arg2: memref<30x768xf32, #tpu.memory_space<vmem>>, %arg3: memref<1x1xf32, #tpu.memory_space<smem>>, %arg4: memref<3x1024xi32, #tpu.memory_space<vmem>>, %arg5: memref<1x1xf32, #tpu.memory_space<smem>>) attributes {dimension_semantics = [#tpu.dimension_semantics<arbitrary>], iteration_bounds = array<i64: 1>, scalar_prefetch = 0 : i64, scratch_operands = 0 : i64, tpu.core_type = #tpu.core_type<tc>, window_params = [{transform_indices = @transform_0, window_bounds = array<i64: 1024, 768>}, {pipeline_mode = #tpu.pipeline_mode<synchronous>, transform_indices = @transform_1, window_bounds = array<i64: 30, 768>}, {transform_indices = @transform_2, window_bounds = array<i64: 1, 1>}, {transform_indices = @transform_3, window_bounds = array<i64: 3, 1024>}, {transform_indices = @transform_4, window_bounds = array<i64: 1, 1>}]} {
    %eq3A = arith.constant 0 : i32
    %eq3A_0 = arith.cmpi eq, %arg0, %eq3A : i32
    %convert_element_type3A = arith.extui %eq3A_0 : i1 to i32
    %cond3A = arith.constant 0 : i32
    %cond3A_1 = arith.cmpi ne, %convert_element_type3A, %cond3A : i32
    scf.if %cond3A_1 {
      %swap3A_208 = arith.constant 0.000000e+00 : f32
      %swap3A_209 = arith.constant 0 : index
      %swap3A_210 = arith.constant 0 : index
      %swap3A_211 = memref.load %arg5[%swap3A_209, %swap3A_210] : memref<1x1xf32, #tpu.memory_space<smem>>
      memref.store %swap3A_208, %arg5[%swap3A_209, %swap3A_210] : memref<1x1xf32, #tpu.memory_space<smem>>
    } else {
    }
    %get3A = arith.constant 0 : index
    %get3A_2 = arith.constant 0 : index
    %get3A_3 = vector.load %arg1[%get3A, %get3A_2] : memref<1024x768xf32, #tpu.memory_space<vmem>>, vector<1024x768xf32>
    %get3A_4 = arith.constant 0 : index
    %get3A_5 = arith.constant 0 : index
    %get3A_6 = memref.load %arg3[%get3A_4, %get3A_5] : memref<1x1xf32, #tpu.memory_space<smem>>
    %add3A = vector.broadcast %get3A_6 : f32 to vector<1024x768xf32>
    %add3A_7 = arith.addf %get3A_3, %add3A : vector<1024x768xf32>
    %mul3A = arith.mulf %add3A_7, %add3A_7 : vector<1024x768xf32>
    %slice3A = vector.extract_strided_slice %mul3A {offsets = [0, 0], sizes = [1024, 128], strides = [1, 1]} : vector<1024x768xf32> to vector<1024x128xf32>
    %slice3A_8 = vector.extract_strided_slice %mul3A {offsets = [0, 128], sizes = [1024, 128], strides = [1, 1]} : vector<1024x768xf32> to vector<1024x128xf32>
    %add3A_9 = arith.addf %slice3A, %slice3A_8 : vector<1024x128xf32>
    %slice3A_10 = vector.extract_strided_slice %mul3A {offsets = [0, 256], sizes = [1024, 128], strides = [1, 1]} : vector<1024x768xf32> to vector<1024x128xf32>
    %add3A_11 = arith.addf %add3A_9, %slice3A_10 : vector<1024x128xf32>
    %slice3A_12 = vector.extract_strided_slice %mul3A {offsets = [0, 384], sizes = [1024, 128], strides = [1, 1]} : vector<1024x768xf32> to vector<1024x128xf32>
    %add3A_13 = arith.addf %add3A_11, %slice3A_12 : vector<1024x128xf32>
    %slice3A_14 = vector.extract_strided_slice %mul3A {offsets = [0, 512], sizes = [1024, 128], strides = [1, 1]} : vector<1024x768xf32> to vector<1024x128xf32>
    %add3A_15 = arith.addf %add3A_13, %slice3A_14 : vector<1024x128xf32>
    %slice3A_16 = vector.extract_strided_slice %mul3A {offsets = [0, 640], sizes = [1024, 128], strides = [1, 1]} : vector<1024x768xf32> to vector<1024x128xf32>
    %add3A_17 = arith.addf %add3A_15, %slice3A_16 : vector<1024x128xf32>
    %slice3A_18 = vector.extract_strided_slice %add3A_17 {offsets = [0, 0], sizes = [1024, 8], strides = [1, 1]} : vector<1024x128xf32> to vector<1024x8xf32>
    %slice3A_19 = vector.extract_strided_slice %add3A_17 {offsets = [0, 8], sizes = [1024, 8], strides = [1, 1]} : vector<1024x128xf32> to vector<1024x8xf32>
    %add3A_20 = arith.addf %slice3A_18, %slice3A_19 : vector<1024x8xf32>
    %slice3A_21 = vector.extract_strided_slice %add3A_17 {offsets = [0, 16], sizes = [1024, 8], strides = [1, 1]} : vector<1024x128xf32> to vector<1024x8xf32>
    %add3A_22 = arith.addf %add3A_20, %slice3A_21 : vector<1024x8xf32>
    %slice3A_23 = vector.extract_strided_slice %add3A_17 {offsets = [0, 24], sizes = [1024, 8], strides = [1, 1]} : vector<1024x128xf32> to vector<1024x8xf32>
    %add3A_24 = arith.addf %add3A_22, %slice3A_23 : vector<1024x8xf32>
    %slice3A_25 = vector.extract_strided_slice %add3A_17 {offsets = [0, 32], sizes = [1024, 8], strides = [1, 1]} : vector<1024x128xf32> to vector<1024x8xf32>
    %add3A_26 = arith.addf %add3A_24, %slice3A_25 : vector<1024x8xf32>
    %slice3A_27 = vector.extract_strided_slice %add3A_17 {offsets = [0, 40], sizes = [1024, 8], strides = [1, 1]} : vector<1024x128xf32> to vector<1024x8xf32>
    %add3A_28 = arith.addf %add3A_26, %slice3A_27 : vector<1024x8xf32>
    %slice3A_29 = vector.extract_strided_slice %add3A_17 {offsets = [0, 48], sizes = [1024, 8], strides = [1, 1]} : vector<1024x128xf32> to vector<1024x8xf32>
    %add3A_30 = arith.addf %add3A_28, %slice3A_29 : vector<1024x8xf32>
    %slice3A_31 = vector.extract_strided_slice %add3A_17 {offsets = [0, 56], sizes = [1024, 8], strides = [1, 1]} : vector<1024x128xf32> to vector<1024x8xf32>
    %add3A_32 = arith.addf %add3A_30, %slice3A_31 : vector<1024x8xf32>
    %slice3A_33 = vector.extract_strided_slice %add3A_17 {offsets = [0, 64], sizes = [1024, 8], strides = [1, 1]} : vector<1024x128xf32> to vector<1024x8xf32>
    %add3A_34 = arith.addf %add3A_32, %slice3A_33 : vector<1024x8xf32>
    %slice3A_35 = vector.extract_strided_slice %add3A_17 {offsets = [0, 72], sizes = [1024, 8], strides = [1, 1]} : vector<1024x128xf32> to vector<1024x8xf32>
    %add3A_36 = arith.addf %add3A_34, %slice3A_35 : vector<1024x8xf32>
    %slice3A_37 = vector.extract_strided_slice %add3A_17 {offsets = [0, 80], sizes = [1024, 8], strides = [1, 1]} : vector<1024x128xf32> to vector<1024x8xf32>
    %add3A_38 = arith.addf %add3A_36, %slice3A_37 : vector<1024x8xf32>
    %slice3A_39 = vector.extract_strided_slice %add3A_17 {offsets = [0, 88], sizes = [1024, 8], strides = [1, 1]} : vector<1024x128xf32> to vector<1024x8xf32>
    %add3A_40 = arith.addf %add3A_38, %slice3A_39 : vector<1024x8xf32>
    %slice3A_41 = vector.extract_strided_slice %add3A_17 {offsets = [0, 96], sizes = [1024, 8], strides = [1, 1]} : vector<1024x128xf32> to vector<1024x8xf32>
    %add3A_42 = arith.addf %add3A_40, %slice3A_41 : vector<1024x8xf32>
    %slice3A_43 = vector.extract_strided_slice %add3A_17 {offsets = [0, 104], sizes = [1024, 8], strides = [1, 1]} : vector<1024x128xf32> to vector<1024x8xf32>
    %add3A_44 = arith.addf %add3A_42, %slice3A_43 : vector<1024x8xf32>
    %slice3A_45 = vector.extract_strided_slice %add3A_17 {offsets = [0, 112], sizes = [1024, 8], strides = [1, 1]} : vector<1024x128xf32> to vector<1024x8xf32>
    %add3A_46 = arith.addf %add3A_44, %slice3A_45 : vector<1024x8xf32>
    %slice3A_47 = vector.extract_strided_slice %add3A_17 {offsets = [0, 120], sizes = [1024, 8], strides = [1, 1]} : vector<1024x128xf32> to vector<1024x8xf32>
    %add3A_48 = arith.addf %add3A_46, %slice3A_47 : vector<1024x8xf32>
    %slice3A_49 = vector.extract_strided_slice %add3A_48 {offsets = [0, 0], sizes = [1024, 1], strides = [1, 1]} : vector<1024x8xf32> to vector<1024x1xf32>
    %slice3A_50 = vector.extract_strided_slice %add3A_48 {offsets = [0, 4], sizes = [1024, 1], strides = [1, 1]} : vector<1024x8xf32> to vector<1024x1xf32>
    %add3A_51 = arith.addf %slice3A_49, %slice3A_50 : vector<1024x1xf32>
    %slice3A_52 = vector.extract_strided_slice %add3A_48 {offsets = [0, 2], sizes = [1024, 1], strides = [1, 1]} : vector<1024x8xf32> to vector<1024x1xf32>
    %slice3A_53 = vector.extract_strided_slice %add3A_48 {offsets = [0, 6], sizes = [1024, 1], strides = [1, 1]} : vector<1024x8xf32> to vector<1024x1xf32>
    %add3A_54 = arith.addf %slice3A_52, %slice3A_53 : vector<1024x1xf32>
    %slice3A_55 = vector.extract_strided_slice %add3A_48 {offsets = [0, 1], sizes = [1024, 1], strides = [1, 1]} : vector<1024x8xf32> to vector<1024x1xf32>
    %slice3A_56 = vector.extract_strided_slice %add3A_48 {offsets = [0, 5], sizes = [1024, 1], strides = [1, 1]} : vector<1024x8xf32> to vector<1024x1xf32>
    %add3A_57 = arith.addf %slice3A_55, %slice3A_56 : vector<1024x1xf32>
    %slice3A_58 = vector.extract_strided_slice %add3A_48 {offsets = [0, 3], sizes = [1024, 1], strides = [1, 1]} : vector<1024x8xf32> to vector<1024x1xf32>
    %slice3A_59 = vector.extract_strided_slice %add3A_48 {offsets = [0, 7], sizes = [1024, 1], strides = [1, 1]} : vector<1024x8xf32> to vector<1024x1xf32>
    %add3A_60 = arith.addf %slice3A_58, %slice3A_59 : vector<1024x1xf32>
    %add3A_61 = arith.addf %add3A_51, %add3A_54 : vector<1024x1xf32>
    %add3A_62 = arith.addf %add3A_57, %add3A_60 : vector<1024x1xf32>
    %add3A_63 = arith.addf %add3A_61, %add3A_62 : vector<1024x1xf32>
    %sqrt3A = math.sqrt %add3A_63 : vector<1024x1xf32>
    %jit3A = arith.constant 9.99999996E-13 : f32
    %max3A = vector.broadcast %jit3A : f32 to vector<1024x1xf32>
    %max3A_64 = arith.maximumf %max3A, %sqrt3A : vector<1024x1xf32>
    %div3A = vector.broadcast %max3A_64 : vector<1024x1xf32> to vector<1024x768xf32>
    %div3A_65 = arith.divf %add3A_7, %div3A : vector<1024x768xf32>
    %get3A_66 = arith.constant 0 : index
    %get3A_67 = arith.constant 0 : index
    %get3A_68 = vector.load %arg2[%get3A_66, %get3A_67] : memref<30x768xf32, #tpu.memory_space<vmem>>, vector<30x768xf32>
    %mul3A_69 = arith.mulf %get3A_68, %get3A_68 : vector<30x768xf32>
    %slice3A_70 = vector.extract_strided_slice %mul3A_69 {offsets = [0, 0], sizes = [30, 128], strides = [1, 1]} : vector<30x768xf32> to vector<30x128xf32>
    %slice3A_71 = vector.extract_strided_slice %mul3A_69 {offsets = [0, 128], sizes = [30, 128], strides = [1, 1]} : vector<30x768xf32> to vector<30x128xf32>
    %add3A_72 = arith.addf %slice3A_70, %slice3A_71 : vector<30x128xf32>
    %slice3A_73 = vector.extract_strided_slice %mul3A_69 {offsets = [0, 256], sizes = [30, 128], strides = [1, 1]} : vector<30x768xf32> to vector<30x128xf32>
    %add3A_74 = arith.addf %add3A_72, %slice3A_73 : vector<30x128xf32>
    %slice3A_75 = vector.extract_strided_slice %mul3A_69 {offsets = [0, 384], sizes = [30, 128], strides = [1, 1]} : vector<30x768xf32> to vector<30x128xf32>
    %add3A_76 = arith.addf %add3A_74, %slice3A_75 : vector<30x128xf32>
    %slice3A_77 = vector.extract_strided_slice %mul3A_69 {offsets = [0, 512], sizes = [30, 128], strides = [1, 1]} : vector<30x768xf32> to vector<30x128xf32>
    %add3A_78 = arith.addf %add3A_76, %slice3A_77 : vector<30x128xf32>
    %slice3A_79 = vector.extract_strided_slice %mul3A_69 {offsets = [0, 640], sizes = [30, 128], strides = [1, 1]} : vector<30x768xf32> to vector<30x128xf32>
    %add3A_80 = arith.addf %add3A_78, %slice3A_79 : vector<30x128xf32>
    %slice3A_81 = vector.extract_strided_slice %add3A_80 {offsets = [0, 0], sizes = [30, 8], strides = [1, 1]} : vector<30x128xf32> to vector<30x8xf32>
    %slice3A_82 = vector.extract_strided_slice %add3A_80 {offsets = [0, 8], sizes = [30, 8], strides = [1, 1]} : vector<30x128xf32> to vector<30x8xf32>
    %add3A_83 = arith.addf %slice3A_81, %slice3A_82 : vector<30x8xf32>
    %slice3A_84 = vector.extract_strided_slice %add3A_80 {offsets = [0, 16], sizes = [30, 8], strides = [1, 1]} : vector<30x128xf32> to vector<30x8xf32>
    %add3A_85 = arith.addf %add3A_83, %slice3A_84 : vector<30x8xf32>
    %slice3A_86 = vector.extract_strided_slice %add3A_80 {offsets = [0, 24], sizes = [30, 8], strides = [1, 1]} : vector<30x128xf32> to vector<30x8xf32>
    %add3A_87 = arith.addf %add3A_85, %slice3A_86 : vector<30x8xf32>
    %slice3A_88 = vector.extract_strided_slice %add3A_80 {offsets = [0, 32], sizes = [30, 8], strides = [1, 1]} : vector<30x128xf32> to vector<30x8xf32>
    %add3A_89 = arith.addf %add3A_87, %slice3A_88 : vector<30x8xf32>
    %slice3A_90 = vector.extract_strided_slice %add3A_80 {offsets = [0, 40], sizes = [30, 8], strides = [1, 1]} : vector<30x128xf32> to vector<30x8xf32>
    %add3A_91 = arith.addf %add3A_89, %slice3A_90 : vector<30x8xf32>
    %slice3A_92 = vector.extract_strided_slice %add3A_80 {offsets = [0, 48], sizes = [30, 8], strides = [1, 1]} : vector<30x128xf32> to vector<30x8xf32>
    %add3A_93 = arith.addf %add3A_91, %slice3A_92 : vector<30x8xf32>
    %slice3A_94 = vector.extract_strided_slice %add3A_80 {offsets = [0, 56], sizes = [30, 8], strides = [1, 1]} : vector<30x128xf32> to vector<30x8xf32>
    %add3A_95 = arith.addf %add3A_93, %slice3A_94 : vector<30x8xf32>
    %slice3A_96 = vector.extract_strided_slice %add3A_80 {offsets = [0, 64], sizes = [30, 8], strides = [1, 1]} : vector<30x128xf32> to vector<30x8xf32>
    %add3A_97 = arith.addf %add3A_95, %slice3A_96 : vector<30x8xf32>
    %slice3A_98 = vector.extract_strided_slice %add3A_80 {offsets = [0, 72], sizes = [30, 8], strides = [1, 1]} : vector<30x128xf32> to vector<30x8xf32>
    %add3A_99 = arith.addf %add3A_97, %slice3A_98 : vector<30x8xf32>
    %slice3A_100 = vector.extract_strided_slice %add3A_80 {offsets = [0, 80], sizes = [30, 8], strides = [1, 1]} : vector<30x128xf32> to vector<30x8xf32>
    %add3A_101 = arith.addf %add3A_99, %slice3A_100 : vector<30x8xf32>
    %slice3A_102 = vector.extract_strided_slice %add3A_80 {offsets = [0, 88], sizes = [30, 8], strides = [1, 1]} : vector<30x128xf32> to vector<30x8xf32>
    %add3A_103 = arith.addf %add3A_101, %slice3A_102 : vector<30x8xf32>
    %slice3A_104 = vector.extract_strided_slice %add3A_80 {offsets = [0, 96], sizes = [30, 8], strides = [1, 1]} : vector<30x128xf32> to vector<30x8xf32>
    %add3A_105 = arith.addf %add3A_103, %slice3A_104 : vector<30x8xf32>
    %slice3A_106 = vector.extract_strided_slice %add3A_80 {offsets = [0, 104], sizes = [30, 8], strides = [1, 1]} : vector<30x128xf32> to vector<30x8xf32>
    %add3A_107 = arith.addf %add3A_105, %slice3A_106 : vector<30x8xf32>
    %slice3A_108 = vector.extract_strided_slice %add3A_80 {offsets = [0, 112], sizes = [30, 8], strides = [1, 1]} : vector<30x128xf32> to vector<30x8xf32>
    %add3A_109 = arith.addf %add3A_107, %slice3A_108 : vector<30x8xf32>
    %slice3A_110 = vector.extract_strided_slice %add3A_80 {offsets = [0, 120], sizes = [30, 8], strides = [1, 1]} : vector<30x128xf32> to vector<30x8xf32>
    %add3A_111 = arith.addf %add3A_109, %slice3A_110 : vector<30x8xf32>
    %slice3A_112 = vector.extract_strided_slice %add3A_111 {offsets = [0, 0], sizes = [30, 1], strides = [1, 1]} : vector<30x8xf32> to vector<30x1xf32>
    %slice3A_113 = vector.extract_strided_slice %add3A_111 {offsets = [0, 4], sizes = [30, 1], strides = [1, 1]} : vector<30x8xf32> to vector<30x1xf32>
    %add3A_114 = arith.addf %slice3A_112, %slice3A_113 : vector<30x1xf32>
    %slice3A_115 = vector.extract_strided_slice %add3A_111 {offsets = [0, 2], sizes = [30, 1], strides = [1, 1]} : vector<30x8xf32> to vector<30x1xf32>
    %slice3A_116 = vector.extract_strided_slice %add3A_111 {offsets = [0, 6], sizes = [30, 1], strides = [1, 1]} : vector<30x8xf32> to vector<30x1xf32>
    %add3A_117 = arith.addf %slice3A_115, %slice3A_116 : vector<30x1xf32>
    %slice3A_118 = vector.extract_strided_slice %add3A_111 {offsets = [0, 1], sizes = [30, 1], strides = [1, 1]} : vector<30x8xf32> to vector<30x1xf32>
    %slice3A_119 = vector.extract_strided_slice %add3A_111 {offsets = [0, 5], sizes = [30, 1], strides = [1, 1]} : vector<30x8xf32> to vector<30x1xf32>
    %add3A_120 = arith.addf %slice3A_118, %slice3A_119 : vector<30x1xf32>
    %slice3A_121 = vector.extract_strided_slice %add3A_111 {offsets = [0, 3], sizes = [30, 1], strides = [1, 1]} : vector<30x8xf32> to vector<30x1xf32>
    %slice3A_122 = vector.extract_strided_slice %add3A_111 {offsets = [0, 7], sizes = [30, 1], strides = [1, 1]} : vector<30x8xf32> to vector<30x1xf32>
    %add3A_123 = arith.addf %slice3A_121, %slice3A_122 : vector<30x1xf32>
    %add3A_124 = arith.addf %add3A_114, %add3A_117 : vector<30x1xf32>
    %add3A_125 = arith.addf %add3A_120, %add3A_123 : vector<30x1xf32>
    %add3A_126 = arith.addf %add3A_124, %add3A_125 : vector<30x1xf32>
    %sqrt3A_127 = math.sqrt %add3A_126 : vector<30x1xf32>
    %jit3A_128 = arith.constant 9.99999996E-13 : f32
    %max3A_129 = vector.broadcast %jit3A_128 : f32 to vector<30x1xf32>
    %max3A_130 = arith.maximumf %max3A_129, %sqrt3A_127 : vector<30x1xf32>
    %div3A_131 = vector.broadcast %max3A_130 : vector<30x1xf32> to vector<30x768xf32>
    %div3A_132 = arith.divf %get3A_68, %div3A_131 : vector<30x768xf32>
    %dot_general3A = arith.constant dense<0.000000e+00> : vector<1024x30xf32>
    %dot_general3A_133 = tpu.matmul %div3A_65, %div3A_132, %dot_general3A {dimension_numbers = #tpu.dot_dimension_numbers<[1], [1], [0], [0], [0, 0, 1, 0], [], []>, transpose_lhs_hint = false} : vector<1024x768xf32>, vector<30x768xf32>, vector<1024x30xf32> -> vector<1024x30xf32>
    %iota3A = tpu.iota {dimensions = array<i32: 1>} : vector<1024x30xi32>
    %reduce_max3A = arith.constant dense<0xFF800000> : vector<1024xf32>
    %reduce_max3A_134 = vector.multi_reduction <maximumf>, %dot_general3A_133, %reduce_max3A [1] : vector<1024x30xf32> to vector<1024xf32>
    %broadcast_in_dim3A = vector.shape_cast %reduce_max3A_134 : vector<1024xf32> to vector<1024x1xf32>
    %eq3A_135 = vector.broadcast %broadcast_in_dim3A : vector<1024x1xf32> to vector<1024x30xf32>
    %eq3A_136 = arith.cmpf oeq, %dot_general3A_133, %eq3A_135 : vector<1024x30xf32>
    %jit3A_137 = arith.constant 30 : i32
    %broadcast_in_dim3A_138 = vector.broadcast %jit3A_137 : i32 to vector<1024x30xi32>
    %select_n3A = arith.select %eq3A_136, %iota3A, %broadcast_in_dim3A_138 : vector<1024x30xi1>, vector<1024x30xi32>
    %reduce_min3A = arith.constant dense<2147483647> : vector<1024xi32>
    %reduce_min3A_139 = vector.multi_reduction <minsi>, %select_n3A, %reduce_min3A [1] : vector<1024x30xi32> to vector<1024xi32>
    %broadcast_in_dim3A_140 = vector.shape_cast %reduce_min3A_139 : vector<1024xi32> to vector<1024x1xi32>
    %eq3A_141 = vector.broadcast %broadcast_in_dim3A_140 : vector<1024x1xi32> to vector<1024x30xi32>
    %eq3A_142 = arith.cmpi eq, %iota3A, %eq3A_141 : vector<1024x30xi32>
    %transpose3A = tpu.transpose %broadcast_in_dim3A_140, [1, 0] : vector<1024x1xi32> -> vector<1x1024xi32>
    %swap3A = arith.constant 0 : index
    %swap3A_143 = arith.constant 0 : index
    %swap3A_144 = vector.load %arg4[%swap3A, %swap3A_143] : memref<3x1024xi32, #tpu.memory_space<vmem>>, vector<1x1024xi32>
    tpu.vector_store %arg4[%swap3A, %swap3A_143], %transpose3A {strides = array<i32>} : memref<3x1024xi32, #tpu.memory_space<vmem>>, vector<1x1024xi32>,
    %reduce_sum3A = vector.shape_cast %broadcast_in_dim3A : vector<1024x1xf32> to vector<1x1024x1xf32>
    %reduce_sum3A_145 = arith.constant dense<0.000000e+00> : vector<1xf32>
    %reduce_sum3A_146 = vector.multi_reduction <add>, %reduce_sum3A, %reduce_sum3A_145 [1, 2] : vector<1x1024x1xf32> to vector<1xf32>
    %reduce_sum3A_147 = vector.shape_cast %reduce_sum3A_146 : vector<1xf32> to vector<1x1x1xf32>
    %reduce_sum3A_148 = vector.extract %reduce_sum3A_147[0, 0, 0] : f32 from vector<1x1x1xf32>
    %add3A_149 = arith.constant 0.000000e+00 : f32
    %add3A_150 = arith.addf %add3A_149, %reduce_sum3A_148 : f32
    %jit3A_151 = arith.constant -3.000000e+38 : f32
    %broadcast_in_dim3A_152 = vector.broadcast %jit3A_151 : f32 to vector<1024x30xf32>
    %select_n3A_153 = arith.select %eq3A_142, %broadcast_in_dim3A_152, %dot_general3A_133 : vector<1024x30xi1>, vector<1024x30xf32>
    %reduce_max3A_154 = arith.constant dense<0xFF800000> : vector<1024xf32>
    %reduce_max3A_155 = vector.multi_reduction <maximumf>, %select_n3A_153, %reduce_max3A_154 [1] : vector<1024x30xf32> to vector<1024xf32>
    %broadcast_in_dim3A_156 = vector.shape_cast %reduce_max3A_155 : vector<1024xf32> to vector<1024x1xf32>
    %eq3A_157 = vector.broadcast %broadcast_in_dim3A_156 : vector<1024x1xf32> to vector<1024x30xf32>
    %eq3A_158 = arith.cmpf oeq, %select_n3A_153, %eq3A_157 : vector<1024x30xf32>
    %jit3A_159 = arith.constant 30 : i32
    %broadcast_in_dim3A_160 = vector.broadcast %jit3A_159 : i32 to vector<1024x30xi32>
    %select_n3A_161 = arith.select %eq3A_158, %iota3A, %broadcast_in_dim3A_160 : vector<1024x30xi1>, vector<1024x30xi32>
    %reduce_min3A_162 = arith.constant dense<2147483647> : vector<1024xi32>
    %reduce_min3A_163 = vector.multi_reduction <minsi>, %select_n3A_161, %reduce_min3A_162 [1] : vector<1024x30xi32> to vector<1024xi32>
    %broadcast_in_dim3A_164 = vector.shape_cast %reduce_min3A_163 : vector<1024xi32> to vector<1024x1xi32>
    %eq3A_165 = vector.broadcast %broadcast_in_dim3A_164 : vector<1024x1xi32> to vector<1024x30xi32>
    %eq3A_166 = arith.cmpi eq, %iota3A, %eq3A_165 : vector<1024x30xi32>
    %transpose3A_167 = tpu.transpose %broadcast_in_dim3A_164, [1, 0] : vector<1024x1xi32> -> vector<1x1024xi32>
    %swap3A_168 = arith.constant 1 : index
    %swap3A_169 = arith.constant 0 : index
    %swap3A_170 = vector.load %arg4[%swap3A_168, %swap3A_169] : memref<3x1024xi32, #tpu.memory_space<vmem>>, vector<1x1024xi32>
    tpu.vector_store %arg4[%swap3A_168, %swap3A_169], %transpose3A_167 {strides = array<i32>} : memref<3x1024xi32, #tpu.memory_space<vmem>>, vector<1x1024xi32>,
    %reduce_sum3A_171 = vector.shape_cast %broadcast_in_dim3A_156 : vector<1024x1xf32> to vector<1x1024x1xf32>
    %reduce_sum3A_172 = arith.constant dense<0.000000e+00> : vector<1xf32>
    %reduce_sum3A_173 = vector.multi_reduction <add>, %reduce_sum3A_171, %reduce_sum3A_172 [1, 2] : vector<1x1024x1xf32> to vector<1xf32>
    %reduce_sum3A_174 = vector.shape_cast %reduce_sum3A_173 : vector<1xf32> to vector<1x1x1xf32>
    %reduce_sum3A_175 = vector.extract %reduce_sum3A_174[0, 0, 0] : f32 from vector<1x1x1xf32>
    %add3A_176 = arith.addf %add3A_150, %reduce_sum3A_175 : f32
    %jit3A_177 = arith.constant -3.000000e+38 : f32
    %broadcast_in_dim3A_178 = vector.broadcast %jit3A_177 : f32 to vector<1024x30xf32>
    %select_n3A_179 = arith.select %eq3A_166, %broadcast_in_dim3A_178, %select_n3A_153 : vector<1024x30xi1>, vector<1024x30xf32>
    %reduce_max3A_180 = arith.constant dense<0xFF800000> : vector<1024xf32>
    %reduce_max3A_181 = vector.multi_reduction <maximumf>, %select_n3A_179, %reduce_max3A_180 [1] : vector<1024x30xf32> to vector<1024xf32>
    %broadcast_in_dim3A_182 = vector.shape_cast %reduce_max3A_181 : vector<1024xf32> to vector<1024x1xf32>
    %eq3A_183 = vector.broadcast %broadcast_in_dim3A_182 : vector<1024x1xf32> to vector<1024x30xf32>
    %eq3A_184 = arith.cmpf oeq, %select_n3A_179, %eq3A_183 : vector<1024x30xf32>
    %jit3A_185 = arith.constant 30 : i32
    %broadcast_in_dim3A_186 = vector.broadcast %jit3A_185 : i32 to vector<1024x30xi32>
    %select_n3A_187 = arith.select %eq3A_184, %iota3A, %broadcast_in_dim3A_186 : vector<1024x30xi1>, vector<1024x30xi32>
    %reduce_min3A_188 = arith.constant dense<2147483647> : vector<1024xi32>
    %reduce_min3A_189 = vector.multi_reduction <minsi>, %select_n3A_187, %reduce_min3A_188 [1] : vector<1024x30xi32> to vector<1024xi32>
    %broadcast_in_dim3A_190 = vector.shape_cast %reduce_min3A_189 : vector<1024xi32> to vector<1024x1xi32>
    %transpose3A_191 = tpu.transpose %broadcast_in_dim3A_190, [1, 0] : vector<1024x1xi32> -> vector<1x1024xi32>
    %swap3A_192 = arith.constant 2 : index
    %swap3A_193 = arith.constant 0 : index
    %swap3A_194 = vector.load %arg4[%swap3A_192, %swap3A_193] : memref<3x1024xi32, #tpu.memory_space<vmem>>, vector<1x1024xi32>
    tpu.vector_store %arg4[%swap3A_192, %swap3A_193], %transpose3A_191 {strides = array<i32>} : memref<3x1024xi32, #tpu.memory_space<vmem>>, vector<1x1024xi32>,
    %reduce_sum3A_195 = vector.shape_cast %broadcast_in_dim3A_182 : vector<1024x1xf32> to vector<1x1024x1xf32>
    %reduce_sum3A_196 = arith.constant dense<0.000000e+00> : vector<1xf32>
    %reduce_sum3A_197 = vector.multi_reduction <add>, %reduce_sum3A_195, %reduce_sum3A_196 [1, 2] : vector<1x1024x1xf32> to vector<1xf32>
    %reduce_sum3A_198 = vector.shape_cast %reduce_sum3A_197 : vector<1xf32> to vector<1x1x1xf32>
    %reduce_sum3A_199 = vector.extract %reduce_sum3A_198[0, 0, 0] : f32 from vector<1x1x1xf32>
    %add3A_200 = arith.addf %add3A_176, %reduce_sum3A_199 : f32
    %get3A_201 = arith.constant 0 : index
    %get3A_202 = arith.constant 0 : index
    %get3A_203 = memref.load %arg5[%get3A_201, %get3A_202] : memref<1x1xf32, #tpu.memory_space<smem>>
    %add3A_204 = arith.addf %get3A_203, %add3A_200 : f32
    %swap3A_205 = arith.constant 0 : index
    %swap3A_206 = arith.constant 0 : index
    %swap3A_207 = memref.load %arg5[%swap3A_205, %swap3A_206] : memref<1x1xf32, #tpu.memory_space<smem>>
    memref.store %add3A_204, %arg5[%swap3A_205, %swap3A_206] : memref<1x1xf32, #tpu.memory_space<smem>>
    return
  }
  func.func @transform_0(%arg0: i32) -> (i32, i32) {
    %c0_i32 = arith.constant 0 : i32
    %c0_i32_0 = arith.constant 0 : i32
    return %arg0, %c0_i32 : i32, i32
  }
  func.func @transform_1(%arg0: i32) -> (i32, i32) {
    %c0_i32 = arith.constant 0 : i32
    %c0_i32_0 = arith.constant 0 : i32
    %c0_i32_1 = arith.constant 0 : i32
    return %c0_i32, %c0_i32_0 : i32, i32
  }
  func.func @transform_2(%arg0: i32) -> (i32, i32) {
    %c0_i32 = arith.constant 0 : i32
    %c0_i32_0 = arith.constant 0 : i32
    %c0_i32_1 = arith.constant 0 : i32
    return %c0_i32, %c0_i32_0 : i32, i32
  }
  func.func @transform_3(%arg0: i32) -> (i32, i32) {
    %c0_i32 = arith.constant 0 : i32
    %c0_i32_0 = arith.constant 0 : i32
    return %c0_i32, %arg0 : i32, i32
  }
  func.func @transform_4(%arg0: i32) -> (i32, i32) {
    %c0_i32 = arith.constant 0 : i32
    %c0_i32_0 = arith.constant 0 : i32
    %c0_i32_1 = arith.constant 0 : i32
    return %c0_i32, %c0_i32_0 : i32, i32
  }
}

</mosaic_0001>

<sc_bundles>
// kernel: kernel.5.cloned.1.call-start
scs
__scs_entry_jumppad:
0x0: {  	(pc) =	sbr.rel $0x88, $3  }
0x1: {  	(tag) =	ssettag $0x0;
	lr =	simm.s32 $0x1  }
0x2: {  	[smem:$0x3F9C] =	sst lr;
	_ =	strace $0xD0000000  }
0x3: {  	_ = 	snop  }
0x4: {  	_ = 	snop  }
0x5: {  	_ = 	snop  }
0x6: {  	_ = 	snop  }
0x7: {  	_ = 	snop  }
__scs_overlays_trampoline_lowered:
0x8: {  	[smem:$0x3FAB] =	sst s0  }
0x9: {  	[smem:$0x3FAC] =	sst s1  }
0xa: {  	[smem:$0x3FAD] =	sst s2  }
0xb: {  	[smem:$0x3FAE] =	sst s3  }
0xc: {  	[smem:$0x3FAF] =	sst s4  }
0xd: {  	[smem:$0x3FB0] =	sst s5  }
0xe: {  	[smem:$0x3FB1] =	sst s6  }
0xf: {  	[smem:$0x3FB2] =	sst s7  }
0x10: {  	[smem:$0x3FB3] =	sst s8  }
0x11: {  	[smem:$0x3FB4] =	sst s9;
	s0 =	simm.s32 @!p0 $0x0  }
0x12: {  	s1 =	sld [smem:$0x3F9A];
	s0 =	simm.s32 @p0 $0x1  }
0x13: {  	[smem:$0x3FB5] =	sst s0;
	s0 =	simm.s32 @!p1 $0x0  }
0x14: {  	s2 =	sld [smem:$0x3F99];
	s0 =	simm.s32 @p1 $0x1  }
0x15: {  	[smem:$0x3FB6] =	sst s0;
	s0 =	simm.s32 @!p2 $0x0  }
0x16: {  	s3 =	sld [smem:$0x3FDB];
	s0 =	simm.s32 @p2 $0x1  }
0x17: {  	s4 =	simm.s32 $0x1BF5;
	[smem:$0x3FB8] =	sst s0  }
0x18: {  	s0 =	sld [smem:$0x3F9B];
	_ =	swait.ge [sflag:s4], $0x0  }
0x19: {  	s7 =	sld [smem:$0x3F9C]  }
0x1a: {  	s8 =	sadd.s32 $0xFFFFE003, lr  }
0x1b: {  	s9 =	sadd.s32 $0xFFFFFEF7, lr;
	s5 =	simm.s32 $0xFFFFFFFF;
	p2 =	slt.u32 s8, $0xFFFFF086  }
0x1c: {  	p1 =	slt.u32 s9, $0xF7A;
	s5 =	simm.s32 @!p2 $0x0  }
0x1d: {  	s5 =	simm.s32 @p1 $0x1;
	p0 =	seq.s32 s7, s2  }
0x1e: {  	s7 =	smul.u32 @!p0 $0xF7A, s2;
	p2 =	seq.s32 @!p0 s5, $0x0  }
0x1f: {  	s9 =	smul.u32 $0xF7A, s1;
	s8 =	simm.s32 @!p0 $0x1BF5;
	p2 =	por !p2, p0  }
0x20: {  	[sflag:s8] =	ssyncset.s32 @!p0 $0xFFFFF086;
	s6 =	sadd.s32 @!p0 s3, s7;
	s7 =	simm.s32 @!p0 $0x108  }
0x21: {  	s3 =	sadd.s32 s3, s9;
	s6 =	sadd.s32 @!p0 $0x88, s6;
	s7 =	simm.s32 @p2 $0x1082  }
0x22: {  	[simem:s7], [sflag:s8] =	dma.local @!p0 [hbm:s6], $0xF7A  }
0x23: {  	s9 =	sor.u32 $0xD0000000, s2;
	s6 =	simm.s32 $0x108;
	_ =	swait.ge @!p0 [sflag:s8], $0x0  }
0x24: {  	s3 =	sadd.s32 $0x88, s3;
	s6 =	simm.s32 @!p1 $0x1082;
	[sflag:s4] =	ssyncset.s32 $0xFFFFF086  }
0x25: {  	[simem:s6], [sflag:s4] =	dma.local [hbm:s3], $0xF7A  }
0x26: {  	[smem:$0x3F9C] =	sst s1;
	(tag) =	ssettag s2;
	_ =	strace s9  }
0x27: {  	s1 =	sld [smem:$0x3FAC]  }
0x28: {  	s2 =	sld [smem:$0x3FAD]  }
0x29: {  	s4 =	sld [smem:$0x3FAF]  }
0x2a: {  	p0 =	seq.s32 s5, $0x0;
	s5 =	sld [smem:$0x3FB0]  }
0x2b: {  	s6 =	sld [smem:$0x3FB1]  }
0x2c: {  	s7 =	sld [smem:$0x3FB2]  }
0x2d: {  	s3 =	simm.s32 $0x108;
	s8 =	sld [smem:$0x3FB3]  }
0x2e: {  	s3 =	simm.s32 @!p0 $0x1082;
	s9 =	sld [smem:$0x3FB4]  }
0x2f: {  	lr =	sadd.s32 s0, s3;
	s0 =	sld [smem:$0x3FAB]  }
0x30: {  	s3 =	sld [smem:$0x3FAE]  }
0x31: {  	[smem:$0x3FB7] =	sst s10  }
0x32: {  	s10 =	sld [smem:$0x3FB5];
	_ =	sdelay $0x3  }
0x33: {  	p0 =	seq.s32 s10, $0x1;
	s10 =	sld [smem:$0x3FB7];
	_ =	sdelay $0x3  }
0x34: {  	[smem:$0x3FB7] =	sst s10  }
0x35: {  	s10 =	sld [smem:$0x3FB6];
	_ =	sdelay $0x3  }
0x36: {  	p1 =	seq.s32 s10, $0x1;
	s10 =	sld [smem:$0x3FB7];
	_ =	sdelay $0x3  }
0x37: {  	[smem:$0x3FB7] =	sst s10  }
0x38: {  	s10 =	sld [smem:$0x3FB8]  }
0x39: {  	_ = 	snop;
	(pc) =	sbr.ind lr, $3  }
0x3a: {  	_ = 	snop  }
0x3b: {  	_ = 	snop  }
0x3c: {  	p2 =	seq.s32 s10, $0x1;
	s10 =	sld [smem:$0x3FB7]  }
0x3d: {  	_ =	shalt  }
0x3e: {  	_ =	shalt  }
0x3f: {  	_ =	shalt  }
0x40: {  	_ =	shalt  }
0x41: {  	_ =	shalt  }
0x42: {  	_ =	shalt  }
0x43: {  	_ =	shalt  }
0x44: {  	_ =	shalt  }
0x45: {  	_ =	shalt  }
0x46: {  	_ =	shalt  }
0x47: {  	_ =	shalt  }
0x48: {  	_ =	shalt  }
0x49: {  	_ =	shalt  }
0x4a: {  	_ =	shalt  }
0x4b: {  	_ =	shalt  }
0x4c: {  	_ =	shalt  }
0x4d: {  	_ =	shalt  }
0x4e: {  	_ =	shalt  }
0x4f: {  	_ =	shalt  }
0x50: {  	_ =	shalt  }
0x51: {  	_ =	shalt  }
0x52: {  	_ =	shalt  }
0x53: {  	_ =	shalt  }
0x54: {  	_ =	shalt  }
0x55: {  	_ =	shalt  }
0x56: {  	_ =	shalt  }
0x57: {  	_ =	shalt  }
0x58: {  	_ =	shalt  }
0x59: {  	_ =	shalt  }
0x5a: {  	_ =	shalt  }
0x5b: {  	_ =	shalt  }
0x5c: {  	_ =	shalt  }
0x5d: {  	_ =	shalt  }
0x5e: {  	_ =	shalt  }
0x5f: {  	_ =	shalt  }
0x60: {  	_ =	shalt  }
0x61: {  	_ =	shalt  }
0x62: {  	_ =	shalt  }
0x63: {  	_ =	shalt  }
0x64: {  	_ =	shalt  }
0x65: {  	_ =	shalt  }
0x66: {  	_ =	shalt  }
0x67: {  	_ =	shalt  }
0x68: {  	_ =	shalt  }
0x69: {  	_ =	shalt  }
0x6a: {  	_ =	shalt  }
0x6b: {  	_ =	shalt  }
0x6c: {  	_ =	shalt  }
0x6d: {  	_ =	shalt  }
0x6e: {  	_ =	shalt  }
0x6f: {  	_ =	shalt  }
0x70: {  	_ =	shalt  }
0x71: {  	_ =	shalt  }
0x72: {  	_ =	shalt  }
0x73: {  	_ =	shalt  }
0x74: {  	_ =	shalt  }
0x75: {  	_ =	shalt  }
0x76: {  	_ =	shalt  }
0x77: {  	_ =	shalt  }
0x78: {  	_ =	shalt  }
0x79: {  	_ =	shalt  }
0x7a: {  	_ =	shalt  }
0x7b: {  	_ =	shalt  }
0x7c: {  	_ =	shalt  }
0x7d: {  	_ =	shalt  }
0x7e: {  	_ =	shalt  }
0x7f: {  	_ =	shalt  }
0x80: {  	_ =	shalt  }
0x81: {  	_ =	shalt  }
0x82: {  	_ =	shalt  }
0x83: {  	_ =	shalt  }
0x84: {  	_ =	shalt  }
0x85: {  	_ =	shalt  }
0x86: {  	_ =	shalt  }
0x87: {  	_ =	shalt  }
.Lfunc_end0:
.L_simem_size_0:
called_computation_lowered:
.L_overlay_start_0:
0x88: {  	s2 =	sld [smem:$0x3FD9]  }
0x89: {  	s3 =	sld [smem:$0x3FFE];
	_ =	sdelay $0x1  }
0x8a: {  	s1 =	srdreg.scid  }
0x8b: {  	s0 =	sand.u32 $0x1, s1  }
0x8c: {  	s14 =	sshll.u32 s0, $0xA;
	s2 =	sadd.s32 s3, s2  }
0x8d: {  	s2 =	sadd.s32 s2, s14  }
0x8e: {  	[smem:$0x3FC3] =	sst s2  }
0x8f: {  	_ = 	snop  }
0x90: {  	s2 =	sld [smem:$0x3FD0];
	_ =	sdelay $0x2  }
0x91: {  	s15 =	simm.s32 $0xA;
	s4 =	simm.s32 $0x10  }
0x92: {  	[smem:s4], [sflag:s15] =	dma.local [hbm:s2], $0x1  }
0x93: {  	_ =	swait.eq [sflag:s15], $0x1  }
0x94: {  	[sflag:s15] =	ssyncset.done $0x0  }
0x95: {  	[sflag:s15] =	ssyncadd.s32 $0xFFFFFFFF  }
0x96: {  	s16 =	sld [smem:$0x10];
	(tm) =	ssettm $0x1  }
0x97: {  	s17 =	sld [smem:$0x3FFB];
	_ =	sdelay $0x3  }
0x98: {  	_ =	strace s17  }
0x99: {  	s3 =	sld [smem:$0x3FFC];
	_ =	sdelay $0x3  }
0x9a: {  	_ =	strace s3  }
0x9b: {  	s3 =	sld [smem:$0x3FFD];
	_ =	sdelay $0x3  }
0x9c: {  	_ =	strace s3  }
0x9d: {  	_ =	strace $0x8FFFFFFF  }
0x9e: {  	s18 =	sld [smem:$0x3FDB];
	_ =	sdelay $0x1  }
0x9f: {  	s19 =	simm.s32 $_scs_section_size  }
0xa0: {  	s5 =	simm.s32 $_size__tile_overlayer_lowered;
	s6 =	simm.s32 $_tile_overlayer_lowered  }
0xa1: {  	s22 =	simm.s32 $0x1BFF;
	s21 =	sshll.u32 s6, $0x1;
	s3 =	sadd.s32 s19, s18  }
0xa2: {  	s7 =	simm.s32 $0x0;
	s20 =	sshll.u32 s5, $0x1;
	s5 =	sadd.s32 s21, s3  }
0xa3: {  	[timem:s7], [sflag:s22] =	dma.local [hbm:s5], s20  }
0xa4: {  	_ =	swait.ge [sflag:s22], s20  }
0xa5: {  	s4 =	ssub.s32 $0x0, s20;
	[sflag:s22] =	ssyncset.done $0x0  }
0xa6: {  	[sflag:s22] =	ssyncadd.s32 s4;
	_ =	sdelay $0x1  }
0xa7: {  	s23 =	simm.s32 $0x1B8B  }
0xa8: {  	_ =	swait.ge [sflag:s23], $0x1  }
0xa9: {  	[sflag:s23] =	ssyncset.done $0x0  }
0xaa: {  	s25 =	simm.s32 $0x1B8E;
	s24 =	sld [smem:$0x3FFE];
	[sflag:s23] =	ssyncadd.s32 $0xFFFFFFFF  }
0xab: {  	s26 =	simm.s32 $execute0_lowered;
	[smem:$0x3FD2] =	sst s25  }
0xac: {  	s5 =	sshll.u32 s26, $0x1;
	_ =	strace $0x80000046;
	[dreg:$0x1] =	wrdreg $0xFFFFFFFF  }
0xad: {  	s28 =	simm.s32 $_size_execute0_lowered;
	s3 =	sadd.s32 s3, s5;
	[dreg:$0x0] =	wrdreg $0x0  }
0xae: {  	s5 =	sshll.u32 s28, $0x1;
	[dreg:$0x2] =	wrdreg s3  }
0xaf: {  	[dreg:$0x3] =	wrdreg s5  }
0xb0: {  	[dreg:$0x4] =	wrdreg $0xC0  }
0xb1: {  	_ =	task [dreg:s7], $0x5FFFF  }
0xb2: {  	[dreg:$0x1] =	wrdreg $0xFFFFFFFF  }
0xb3: {  	[dreg:$0x0] =	wrdreg $0x60  }
0xb4: {  	[dreg:$0x2] =	wrdreg s24  }
0xb5: {  	[dreg:$0x3] =	wrdreg s16  }
0xb6: {  	[dreg:$0x4] =	wrdreg $0x9  }
0xb7: {  	_ =	task.clear_ibuf [dreg:s7], $0x5FFFF;
	_ =	strace $0x90000046  }
0xb8: {  	s29 =	simm.s32 $0x9;
	_ =	strace $0x80000048  }
0xb9: {  	_ =	swait.ge [sflag:s29], $0x1  }
0xba: {  	[sflag:s29] =	ssyncadd.s32 $0xFFFFFFFF  }
0xbb: {  	_ =	strace $0x90000048  }
0xbc: {  	_ =	sfence  }
0xbd: {  	s30 =	sld [smem:$0x0];
	_ =	sdelay $0x2  }
0xbe: {  	s31 =	sshll.u32 s1, $0xD;
	s1 =	sshrl.u32 s1, $0x2  }
0xbf: {  	s3 =	sand.u32 $0x4000, s31;
	s1 =	sadd.s32 s1, s30  }
0xc0: {  	s0 =	sor.u32 s3, s0;
	s1 =	sshll.u32 s1, $0x11  }
0xc1: {  	s0 =	sor.u32 s1, s0  }
0xc2: {  	s0 =	sadd.s32 $0x8F2B, s0  }
0xc3: {  	[sflag:s0] =	ssyncadd.remote.s32 $0x1  }
0xc4: {  	_ =	sfence.sel $0xFFFF  }
0xc5: {  	[dreg:$0x0] =	wrdreg $0xFFFFFFFF;
	(pc) =	sbr.abs _section_cstart, $3  }
0xc6: {  	[dreg:$0x1] =	wrdreg $0xFFFFFFFF  }
0xc7: {  	_ =	task.clear_ibuf [dreg:s7], $0x2FFFF;
	_ =	strace $0x9FFFFFFF  }
0xc8: {  	(tm) =	ssettm $0x7FFFFFFF  }
0xc9: {  	_ =	shalt  }
tec
execute0_lowered:
.L_overlay_start_1:
0x0: {  	(tag) =	ssettag $0x1  }
0x1: {  	s0 =	srdreg.scid;
	s3 =	rddreg [dreg:$0x0]  }
0x2: {  	s4 =	stileid.u32;
	s5 =	rddreg [dreg:$0x1];
	s8 =	simm.s32 $0x2  }
0x3: {  	s28 =	simm.s32 $0x2100;
	s29 =	simm.s32 $0x2900;
	s30 =	simm.s32 $0x3100  }
0x4: {  	s31 =	simm.s32 $0x3900;
	s10 =	simm.s32 $0x5100;
	s0 =	sand.u32 $0x1, s0  }
0x5: {  	s11 =	simm.s32 $0x5900;
	s1 =	sshll.u32 s4, $0x6;
	s2 =	sshll.u32 s0, $0x5  }
0x6: {  	s12 =	simm.s32 $0x6900;
	s15 =	sshll.u32 s4, $0x8;
	s1 =	sor.u32 s2, s1  }
0x7: {  	s13 =	simm.s32 $0x7100;
	s2 =	sand.u32 $0xE00, s15;
	s16 =	sand.u32 $0x60, s1  }
0x8: {  	s14 =	simm.s32 $0x7900;
	s0 =	ssub.s32 $0x2, s0;
	s4 =	sor.u32 s2, s16  }
0x9: {  	s9 =	simm.s32 $0xB100;
	s24 =	sshrl.u32 s0, $0x1;
	s4 =	sshrl.u32 s4, $0x3  }
0xa: {  	s1 =	sshrl.u32 s1, $0x3;
	s2 =	simm.s32 $0x0;
	s6 =	sadd.s32 s4, s3  }
0xb: {  	s1 =	smul.u32 $0x1800, s1;
	[smem:$0x7FF] =	sst s2;
	s4 =	sadd.s32 $0x3200, s6  }
0xc: {  	_ =	strace $0x80000047;
	s18 =	sadd.s32 $0x3210, s6;
	[dreg:$0x3] =	wrdreg s4  }
0xd: {  	s1 =	sshrl.u32 s1, $0x3;
	s22 =	sadd.s32 $0x3220, s6;
	[dreg:$0x6] =	wrdreg s18  }
0xe: {  	s15 =	simm.s32 $0x8100;
	s7 =	sadd.s32 s5, s1;
	[dreg:$0xa] =	wrdreg s22  }
0xf: {  	s0 =	ssub.s32 s0, s24;
	s1 =	sadd.s32 $0x18000, s7;
	[dreg:$0xe] =	wrdreg s7  }
0x10: {  	s24 =	simm.s32 $0x900;
	s17 =	sadd.s32 $0x30000, s7;
	[dreg:$0x4] =	wrdreg s1  }
0x11: {  	s16 =	simm.s32 $0x8900;
	s19 =	sadd.s32 $0x48000, s7;
	[dreg:$0x5] =	wrdreg s17  }
0x12: {  	s5 =	sadd.s32 $0xD00, s3;
	s20 =	sadd.s32 $0x60000, s7;
	[dreg:$0x7] =	wrdreg s19  }
0x13: {  	s6 =	sadd.s32 $0xE00, s3;
	s21 =	sadd.s32 $0x78000, s7;
	[dreg:$0x8] =	wrdreg s20  }
0x14: {  	s4 =	sadd.s32 $0xC00, s3;
	s23 =	sadd.s32 $0x90000, s7;
	[dreg:$0x9] =	wrdreg s21  }
0x15: {  	s25 =	sadd.s32 $0xA8000, s7;
	s26 =	sadd.s32 $0xC0000, s7;
	[dreg:$0xb] =	wrdreg s23  }
0x16: {  	s7 =	smax.u32 s0, $0x1;
	s22 =	simm.s32 $0x1;
	[dreg:$0xc] =	wrdreg s25  }
0x17: {  	v2 =	vlaneseq.u32;
	s3 =	simm.s32 $0x6100;
	s18 =	simm.s32 $0x9900;
	[dreg:$0xd] =	wrdreg s26  }
0x18: {  	vm0 =	vmmov $0xffff;
	v1 =	vshrl.u32 v2, $0x3;
	s21 =	simm.s32 $0x100;
	s25 =	simm.s32 $0x1100;
	s26 =	simm.s32 $0x1900  }
0x19: {  	v0 =	vand.u32 $0x7, v2;
	v2 =	vor.u32 $0x8, v2;
	v1 =	vmul.u32 $0x8, v1;
	s17 =	simm.s32 $0x9100;
	s19 =	simm.s32 $0xA100;
	s20 =	simm.s32 $0xA900  }
.LBB2_1:
0x1a: {  	s23 =	rddreg [dreg:$0x3]  }
0x1b: {  	[tilespmem:s2], [sflag:$0x2] =	stream.linear.gather [hbm4b:s23+s2], $0x20, $0x38;
	[tilespmem:$0x12100] =	vst v63  }
0x1c: {  	_ =	swait.ge [sflag:s8], $0x20  }
0x1d: {  	[sflag:s8] =	ssyncset.done $0x0  }
0x1e: {  	[sflag:s8] =	ssyncadd.s32 $0xFFFFFFE0  }
0x1f: {  	v3 =	vld [tilespmem:$0x0];
	_ =	sdelay $0x4  }
0x20: {  	v4 =	vld [tilespmem:$0x10];
	v5 =	vshrl.u32 v3, $0x3  }
0x21: {  	v6 =	vld [tilespmem:$0x0];
	v5 =	vmul.u32 $0x30, v5  }
0x22: {  	v7 =	vld [tilespmem:$0x10];
	v8 =	vand.u32 $0x7, v3  }
0x23: {  	v9 =	vld [tilespmem:$0x0];
	v5 =	vor.u32 v8, v5  }
0x24: {  	v29 =	vld [tilespmem:$0x10];
	v10 =	vperm.xlane v5, v0  }
0x25: {  	[tilespmem:$0x80] =	vst v3  }
0x26: {  	[tilespmem:$0x90] =	vst v4;
	v3 =	vadd.s32 $0x1E, v6;
	v30 =	vadd.s32 v1, v10  }
0x27: {  	[tilespmem:$0xA0] =	vst v3;
	v3 =	vadd.s32 $0x1E, v7  }
0x28: {  	[tilespmem:$0xB0] =	vst v3;
	v3 =	vadd.s32 $0x3C, v9  }
0x29: {  	[tilespmem:$0xC0] =	vst v3;
	v3 =	vadd.s32 $0x3C, v29  }
0x2a: {  	[tilespmem:$0xD0] =	vst v3;
	v3 =	vperm.xlane v5, v2  }
0x2b: {  	[tilespmem:s21], [sflag:$0x1] =	stream.indirect_vreg.gather [hbm4b:s4+s2], $0x80, v30, vm0, $0xb8;
	[tilespmem:$0x12100] =	vst v63  }
0x2c: {  	v3 =	vadd.s32 v1, v3  }
0x2d: {  	[tilespmem:s24], [sflag:$0x1] =	stream.indirect_vreg.gather [hbm4b:s5+s2], $0x80, v30, vm0, $0xb8;
	[tilespmem:$0x12100] =	vst v63  }
0x2e: {  	_ = 	snop  }
0x2f: {  	[tilespmem:s25], [sflag:$0x1] =	stream.indirect_vreg.gather [hbm4b:s6+s2], $0x80, v30, vm0, $0xb8;
	[tilespmem:$0x12100] =	vst v63  }
0x30: {  	_ = 	snop  }
0x31: {  	[tilespmem:s26], [sflag:$0x1] =	stream.indirect_vreg.gather [hbm4b:s4+s2], $0x80, v3, vm0, $0xb8;
	[tilespmem:$0x12100] =	vst v63  }
0x32: {  	_ = 	snop  }
0x33: {  	[tilespmem:s28], [sflag:$0x1] =	stream.indirect_vreg.gather [hbm4b:s5+s2], $0x80, v3, vm0, $0xb8;
	[tilespmem:$0x12100] =	vst v63  }
0x34: {  	_ = 	snop  }
0x35: {  	[tilespmem:s29], [sflag:$0x1] =	stream.indirect_vreg.gather [hbm4b:s6+s2], $0x80, v3, vm0, $0xb8;
	[tilespmem:$0x12100] =	vst v63  }
0x36: {  	v3 =	vld [tilespmem:$0x90];
	_ =	sdelay $0x4  }
0x37: {  	v31 =	vshrl.u32 v3, $0x3  }
0x38: {  	v4 =	vmul.u32 $0x30, v31  }
0x39: {  	v3 =	vand.u32 $0x7, v3  }
0x3a: {  	v3 =	vor.u32 v3, v4  }
0x3b: {  	v4 =	vperm.xlane v3, v0;
	_ =	sdelay $0x1  }
0x3c: {  	v4 =	vadd.s32 v1, v4;
	_ =	sdelay $0x3  }
0x3d: {  	v3 =	vperm.xlane v3, v2  }
0x3e: {  	[tilespmem:s30], [sflag:$0x1] =	stream.indirect_vreg.gather [hbm4b:s4+s2], $0x80, v4, vm0, $0xb8;
	[tilespmem:$0x12100] =	vst v63  }
0x3f: {  	v3 =	vadd.s32 v1, v3  }
0x40: {  	[tilespmem:s31], [sflag:$0x1] =	stream.indirect_vreg.gather [hbm4b:s5+s2], $0x80, v4, vm0, $0xb8;
	[tilespmem:$0x12100] =	vst v63  }
0x41: {  	s1 =	simm.s32 $0x4100  }
0x42: {  	[tilespmem:s1], [sflag:$0x1] =	stream.indirect_vreg.gather [hbm4b:s6+s2], $0x80, v4, vm0, $0xb8;
	[tilespmem:$0x12100] =	vst v63  }
0x43: {  	s0 =	simm.s32 $0x4900  }
0x44: {  	[tilespmem:s0], [sflag:$0x1] =	stream.indirect_vreg.gather [hbm4b:s4+s2], $0x80, v3, vm0, $0xb8;
	[tilespmem:$0x12100] =	vst v63  }
0x45: {  	_ = 	snop  }
0x46: {  	[tilespmem:s10], [sflag:$0x1] =	stream.indirect_vreg.gather [hbm4b:s5+s2], $0x80, v3, vm0, $0xb8;
	[tilespmem:$0x12100] =	vst v63  }
0x47: {  	_ = 	snop  }
0x48: {  	[tilespmem:s11], [sflag:$0x1] =	stream.indirect_vreg.gather [hbm4b:s6+s2], $0x80, v3, vm0, $0xb8;
	[tilespmem:$0x12100] =	vst v63  }
0x49: {  	v3 =	vld [tilespmem:$0xA0];
	_ =	sdelay $0x4  }
0x4a: {  	v32 =	vshrl.u32 v3, $0x3  }
0x4b: {  	v4 =	vmul.u32 $0x30, v32  }
0x4c: {  	v3 =	vand.u32 $0x7, v3  }
0x4d: {  	v3 =	vor.u32 v3, v4  }
0x4e: {  	v4 =	vperm.xlane v3, v0;
	_ =	sdelay $0x1  }
0x4f: {  	v4 =	vadd.s32 v1, v4;
	_ =	sdelay $0x3  }
0x50: {  	v3 =	vperm.xlane v3, v2  }
0x51: {  	[tilespmem:s3], [sflag:$0x1] =	stream.indirect_vreg.gather [hbm4b:s4+s2], $0x80, v4, vm0, $0xb8;
	[tilespmem:$0x12100] =	vst v63  }
0x52: {  	v3 =	vadd.s32 v1, v3  }
0x53: {  	[tilespmem:s12], [sflag:$0x1] =	stream.indirect_vreg.gather [hbm4b:s5+s2], $0x80, v4, vm0, $0xb8;
	[tilespmem:$0x12100] =	vst v63  }
0x54: {  	_ = 	snop  }
0x55: {  	[tilespmem:s13], [sflag:$0x1] =	stream.indirect_vreg.gather [hbm4b:s6+s2], $0x80, v4, vm0, $0xb8;
	[tilespmem:$0x12100] =	vst v63  }
0x56: {  	_ = 	snop  }
0x57: {  	[tilespmem:s14], [sflag:$0x1] =	stream.indirect_vreg.gather [hbm4b:s4+s2], $0x80, v3, vm0, $0xb8;
	[tilespmem:$0x12100] =	vst v63  }
0x58: {  	_ = 	snop  }
0x59: {  	[tilespmem:s15], [sflag:$0x1] =	stream.indirect_vreg.gather [hbm4b:s5+s2], $0x80, v3, vm0, $0xb8;
	[tilespmem:$0x12100] =	vst v63  }
0x5a: {  	_ = 	snop  }
0x5b: {  	[tilespmem:s16], [sflag:$0x1] =	stream.indirect_vreg.gather [hbm4b:s6+s2], $0x80, v3, vm0, $0xb8;
	[tilespmem:$0x12100] =	vst v63  }
0x5c: {  	v3 =	vld [tilespmem:$0xB0];
	_ =	sdelay $0x4  }
0x5d: {  	v33 =	vshrl.u32 v3, $0x3  }
0x5e: {  	v4 =	vmul.u32 $0x30, v33  }
0x5f: {  	v3 =	vand.u32 $0x7, v3  }
0x60: {  	v3 =	vor.u32 v3, v4  }
0x61: {  	v4 =	vperm.xlane v3, v0;
	_ =	sdelay $0x1  }
0x62: {  	v4 =	vadd.s32 v1, v4;
	_ =	sdelay $0x3  }
0x63: {  	v3 =	vperm.xlane v3, v2  }
0x64: {  	[tilespmem:s17], [sflag:$0x1] =	stream.indirect_vreg.gather [hbm4b:s4+s2], $0x80, v4, vm0, $0xb8;
	[tilespmem:$0x12100] =	vst v63  }
0x65: {  	v3 =	vadd.s32 v1, v3  }
0x66: {  	[tilespmem:s18], [sflag:$0x1] =	stream.indirect_vreg.gather [hbm4b:s5+s2], $0x80, v4, vm0, $0xb8;
	[tilespmem:$0x12100] =	vst v63  }
0x67: {  	_ = 	snop  }
0x68: {  	[tilespmem:s19], [sflag:$0x1] =	stream.indirect_vreg.gather [hbm4b:s6+s2], $0x80, v4, vm0, $0xb8;
	[tilespmem:$0x12100] =	vst v63  }
0x69: {  	_ = 	snop  }
0x6a: {  	[tilespmem:s20], [sflag:$0x1] =	stream.indirect_vreg.gather [hbm4b:s4+s2], $0x80, v3, vm0, $0xb8;
	[tilespmem:$0x12100] =	vst v63  }
0x6b: {  	_ = 	snop  }
0x6c: {  	[tilespmem:s9], [sflag:$0x1] =	stream.indirect_vreg.gather [hbm4b:s5+s2], $0x80, v3, vm0, $0xb8;
	[tilespmem:$0x12100] =	vst v63  }
0x6d: {  	s23 =	simm.s32 $0xB900  }
0x6e: {  	[tilespmem:s23], [sflag:$0x1] =	stream.indirect_vreg.gather [hbm4b:s6+s2], $0x80, v3, vm0, $0xb8;
	[tilespmem:$0x12100] =	vst v63  }
0x6f: {  	v3 =	vld [tilespmem:$0xC0];
	_ =	sdelay $0x4  }
0x70: {  	v34 =	vshrl.u32 v3, $0x3  }
0x71: {  	v4 =	vmul.u32 $0x30, v34  }
0x72: {  	v3 =	vand.u32 $0x7, v3  }
0x73: {  	v3 =	vor.u32 v3, v4  }
0x74: {  	v4 =	vperm.xlane v3, v0;
	_ =	sdelay $0x1  }
0x75: {  	v4 =	vadd.s32 v1, v4;
	_ =	sdelay $0x3  }
0x76: {  	s0 =	simm.s32 $0xC100;
	v3 =	vperm.xlane v3, v2  }
0x77: {  	[tilespmem:s0], [sflag:$0x1] =	stream.indirect_vreg.gather [hbm4b:s4+s2], $0x80, v4, vm0, $0xb8;
	[tilespmem:$0x12100] =	vst v63  }
0x78: {  	s23 =	simm.s32 $0xC900;
	v3 =	vadd.s32 v1, v3  }
0x79: {  	[tilespmem:s23], [sflag:$0x1] =	stream.indirect_vreg.gather [hbm4b:s5+s2], $0x80, v4, vm0, $0xb8;
	[tilespmem:$0x12100] =	vst v63  }
0x7a: {  	s23 =	simm.s32 $0xD100  }
0x7b: {  	[tilespmem:s23], [sflag:$0x1] =	stream.indirect_vreg.gather [hbm4b:s6+s2], $0x80, v4, vm0, $0xb8;
	[tilespmem:$0x12100] =	vst v63  }
0x7c: {  	s23 =	simm.s32 $0xD900  }
0x7d: {  	[tilespmem:s23], [sflag:$0x1] =	stream.indirect_vreg.gather [hbm4b:s4+s2], $0x80, v3, vm0, $0xb8;
	[tilespmem:$0x12100] =	vst v63  }
0x7e: {  	s23 =	simm.s32 $0xE100  }
0x7f: {  	[tilespmem:s23], [sflag:$0x1] =	stream.indirect_vreg.gather [hbm4b:s5+s2], $0x80, v3, vm0, $0xb8;
	[tilespmem:$0x12100] =	vst v63  }
0x80: {  	s23 =	simm.s32 $0xE900  }
0x81: {  	[tilespmem:s23], [sflag:$0x1] =	stream.indirect_vreg.gather [hbm4b:s6+s2], $0x80, v3, vm0, $0xb8;
	[tilespmem:$0x12100] =	vst v63  }
0x82: {  	v3 =	vld [tilespmem:$0xD0];
	_ =	sdelay $0x4  }
0x83: {  	v35 =	vshrl.u32 v3, $0x3  }
0x84: {  	v4 =	vmul.u32 $0x30, v35  }
0x85: {  	v3 =	vand.u32 $0x7, v3  }
0x86: {  	v3 =	vor.u32 v3, v4  }
0x87: {  	v4 =	vperm.xlane v3, v0;
	_ =	sdelay $0x1  }
0x88: {  	v4 =	vadd.s32 v1, v4;
	_ =	sdelay $0x3  }
0x89: {  	s23 =	simm.s32 $0xF100;
	v3 =	vperm.xlane v3, v2  }
0x8a: {  	[tilespmem:s23], [sflag:$0x1] =	stream.indirect_vreg.gather [hbm4b:s4+s2], $0x80, v4, vm0, $0xb8;
	[tilespmem:$0x12100] =	vst v63  }
0x8b: {  	v3 =	vadd.s32 v1, v3;
	s23 =	simm.s32 $0xF900  }
0x8c: {  	[tilespmem:s23], [sflag:$0x1] =	stream.indirect_vreg.gather [hbm4b:s5+s2], $0x80, v4, vm0, $0xb8;
	[tilespmem:$0x12100] =	vst v63  }
0x8d: {  	s23 =	simm.s32 $0x10100  }
0x8e: {  	[tilespmem:s23], [sflag:$0x1] =	stream.indirect_vreg.gather [hbm4b:s6+s2], $0x80, v4, vm0, $0xb8;
	[tilespmem:$0x12100] =	vst v63  }
0x8f: {  	s23 =	simm.s32 $0x10900  }
0x90: {  	[tilespmem:s23], [sflag:$0x1] =	stream.indirect_vreg.gather [hbm4b:s4+s2], $0x80, v3, vm0, $0xb8;
	[tilespmem:$0x12100] =	vst v63  }
0x91: {  	s23 =	simm.s32 $0x11100  }
0x92: {  	[tilespmem:s23], [sflag:$0x1] =	stream.indirect_vreg.gather [hbm4b:s5+s2], $0x80, v3, vm0, $0xb8;
	[tilespmem:$0x12100] =	vst v63  }
0x93: {  	s23 =	simm.s32 $0x11900  }
0x94: {  	[tilespmem:s23], [sflag:$0x1] =	stream.indirect_vreg.gather [hbm4b:s6+s2], $0x80, v3, vm0, $0xb8;
	[tilespmem:$0x12100] =	vst v63  }
0x95: {  	_ =	swait.ge [sflag:s22], $0x12000  }
0x96: {  	[sflag:s22] =	ssyncset.done $0x0  }
0x97: {  	s23 =	rddreg [dreg:$0xe];
	[sflag:s22] =	ssyncadd.s32 $0xFFFEE000  }
0x98: {  	[hbm4b:s23+s2] =	stream.linear.scatter [tilespmem:s21], [sflag:$0x2], $0x6000, $0x38;
	[tilespmem:$0x12100] =	vst v63  }
0x99: {  	_ =	swait.ge [sflag:s8], $0x6000  }
0x9a: {  	[sflag:s8] =	ssyncset.done $0x0  }
0x9b: {  	s23 =	rddreg [dreg:$0x4];
	[sflag:s8] =	ssyncadd.s32 $0xFFFFA000  }
0x9c: {  	[hbm4b:s23+s2] =	stream.linear.scatter [tilespmem:s3], [sflag:$0x2], $0x6000, $0x38;
	[tilespmem:$0x12100] =	vst v63  }
0x9d: {  	_ =	swait.ge [sflag:s8], $0x6000  }
0x9e: {  	[sflag:s8] =	ssyncset.done $0x0  }
0x9f: {  	s23 =	rddreg [dreg:$0x5];
	[sflag:s8] =	ssyncadd.s32 $0xFFFFA000  }
0xa0: {  	[hbm4b:s23+s2] =	stream.linear.scatter [tilespmem:s0], [sflag:$0x2], $0x6000, $0x38;
	[tilespmem:$0x12100] =	vst v63  }
0xa1: {  	_ =	swait.ge [sflag:s8], $0x6000  }
0xa2: {  	[sflag:s8] =	ssyncset.done $0x0  }
0xa3: {  	s23 =	rddreg [dreg:$0x6];
	[sflag:s8] =	ssyncadd.s32 $0xFFFFA000  }
0xa4: {  	[tilespmem:s2], [sflag:$0x2] =	stream.linear.gather [hbm4b:s23+s2], $0x20, $0x38;
	[tilespmem:$0x12100] =	vst v63  }
0xa5: {  	_ =	swait.ge [sflag:s8], $0x20  }
0xa6: {  	[sflag:s8] =	ssyncset.done $0x0  }
0xa7: {  	[sflag:s8] =	ssyncadd.s32 $0xFFFFFFE0  }
0xa8: {  	v3 =	vld [tilespmem:$0x0];
	_ =	sdelay $0x4  }
0xa9: {  	v36 =	vld [tilespmem:$0x10];
	v37 =	vshrl.u32 v3, $0x3  }
0xaa: {  	v38 =	vld [tilespmem:$0x0];
	v5 =	vmul.u32 $0x30, v37  }
0xab: {  	v39 =	vld [tilespmem:$0x10];
	v40 =	vand.u32 $0x7, v3  }
0xac: {  	v41 =	vld [tilespmem:$0x0];
	v5 =	vor.u32 v40, v5  }
0xad: {  	v42 =	vld [tilespmem:$0x10];
	v43 =	vperm.xlane v5, v0  }
0xae: {  	[tilespmem:$0x80] =	vst v3  }
0xaf: {  	[tilespmem:$0x90] =	vst v36;
	v3 =	vadd.s32 $0x1E, v38;
	v44 =	vadd.s32 v1, v43  }
0xb0: {  	[tilespmem:$0xA0] =	vst v3;
	v3 =	vadd.s32 $0x1E, v39  }
0xb1: {  	[tilespmem:$0xB0] =	vst v3;
	v3 =	vadd.s32 $0x3C, v41  }
0xb2: {  	[tilespmem:$0xC0] =	vst v3;
	v3 =	vadd.s32 $0x3C, v42  }
0xb3: {  	[tilespmem:$0xD0] =	vst v3;
	v3 =	vperm.xlane v5, v2  }
0xb4: {  	[tilespmem:s21], [sflag:$0x1] =	stream.indirect_vreg.gather [hbm4b:s4+s2], $0x80, v44, vm0, $0xb8;
	[tilespmem:$0x12100] =	vst v63  }
0xb5: {  	v3 =	vadd.s32 v1, v3  }
0xb6: {  	[tilespmem:s24], [sflag:$0x1] =	stream.indirect_vreg.gather [hbm4b:s5+s2], $0x80, v44, vm0, $0xb8;
	[tilespmem:$0x12100] =	vst v63  }
0xb7: {  	_ = 	snop  }
0xb8: {  	[tilespmem:s25], [sflag:$0x1] =	stream.indirect_vreg.gather [hbm4b:s6+s2], $0x80, v44, vm0, $0xb8;
	[tilespmem:$0x12100] =	vst v63  }
0xb9: {  	_ = 	snop  }
0xba: {  	[tilespmem:s26], [sflag:$0x1] =	stream.indirect_vreg.gather [hbm4b:s4+s2], $0x80, v3, vm0, $0xb8;
	[tilespmem:$0x12100] =	vst v63  }
0xbb: {  	_ = 	snop  }
0xbc: {  	[tilespmem:s28], [sflag:$0x1] =	stream.indirect_vreg.gather [hbm4b:s5+s2], $0x80, v3, vm0, $0xb8;
	[tilespmem:$0x12100] =	vst v63  }
0xbd: {  	_ = 	snop  }
0xbe: {  	[tilespmem:s29], [sflag:$0x1] =	stream.indirect_vreg.gather [hbm4b:s6+s2], $0x80, v3, vm0, $0xb8;
	[tilespmem:$0x12100] =	vst v63  }
0xbf: {  	v3 =	vld [tilespmem:$0x90];
	_ =	sdelay $0x4  }
0xc0: {  	v45 =	vshrl.u32 v3, $0x3  }
0xc1: {  	v4 =	vmul.u32 $0x30, v45  }
0xc2: {  	v3 =	vand.u32 $0x7, v3  }
0xc3: {  	v3 =	vor.u32 v3, v4  }
0xc4: {  	v4 =	vperm.xlane v3, v0;
	_ =	sdelay $0x1  }
0xc5: {  	v4 =	vadd.s32 v1, v4;
	_ =	sdelay $0x3  }
0xc6: {  	v3 =	vperm.xlane v3, v2  }
0xc7: {  	[tilespmem:s30], [sflag:$0x1] =	stream.indirect_vreg.gather [hbm4b:s4+s2], $0x80, v4, vm0, $0xb8;
	[tilespmem:$0x12100] =	vst v63  }
0xc8: {  	v3 =	vadd.s32 v1, v3  }
0xc9: {  	[tilespmem:s31], [sflag:$0x1] =	stream.indirect_vreg.gather [hbm4b:s5+s2], $0x80, v4, vm0, $0xb8;
	[tilespmem:$0x12100] =	vst v63  }
0xca: {  	_ = 	snop  }
0xcb: {  	[tilespmem:s1], [sflag:$0x1] =	stream.indirect_vreg.gather [hbm4b:s6+s2], $0x80, v4, vm0, $0xb8;
	[tilespmem:$0x12100] =	vst v63  }
0xcc: {  	s23 =	simm.s32 $0x4900  }
0xcd: {  	[tilespmem:s23], [sflag:$0x1] =	stream.indirect_vreg.gather [hbm4b:s4+s2], $0x80, v3, vm0, $0xb8;
	[tilespmem:$0x12100] =	vst v63  }
0xce: {  	_ = 	snop  }
0xcf: {  	[tilespmem:s10], [sflag:$0x1] =	stream.indirect_vreg.gather [hbm4b:s5+s2], $0x80, v3, vm0, $0xb8;
	[tilespmem:$0x12100] =	vst v63  }
0xd0: {  	_ = 	snop  }
0xd1: {  	[tilespmem:s11], [sflag:$0x1] =	stream.indirect_vreg.gather [hbm4b:s6+s2], $0x80, v3, vm0, $0xb8;
	[tilespmem:$0x12100] =	vst v63  }
0xd2: {  	v3 =	vld [tilespmem:$0xA0];
	_ =	sdelay $0x4  }
0xd3: {  	v46 =	vshrl.u32 v3, $0x3  }
0xd4: {  	v4 =	vmul.u32 $0x30, v46  }
0xd5: {  	v3 =	vand.u32 $0x7, v3  }
0xd6: {  	v3 =	vor.u32 v3, v4  }
0xd7: {  	v4 =	vperm.xlane v3, v0;
	_ =	sdelay $0x1  }
0xd8: {  	v4 =	vadd.s32 v1, v4;
	_ =	sdelay $0x3  }
0xd9: {  	v3 =	vperm.xlane v3, v2  }
0xda: {  	[tilespmem:s3], [sflag:$0x1] =	stream.indirect_vreg.gather [hbm4b:s4+s2], $0x80, v4, vm0, $0xb8;
	[tilespmem:$0x12100] =	vst v63  }
0xdb: {  	v3 =	vadd.s32 v1, v3  }
0xdc: {  	[tilespmem:s12], [sflag:$0x1] =	stream.indirect_vreg.gather [hbm4b:s5+s2], $0x80, v4, vm0, $0xb8;
	[tilespmem:$0x12100] =	vst v63  }
0xdd: {  	_ = 	snop  }
0xde: {  	[tilespmem:s13], [sflag:$0x1] =	stream.indirect_vreg.gather [hbm4b:s6+s2], $0x80, v4, vm0, $0xb8;
	[tilespmem:$0x12100] =	vst v63  }
0xdf: {  	_ = 	snop  }
0xe0: {  	[tilespmem:s14], [sflag:$0x1] =	stream.indirect_vreg.gather [hbm4b:s4+s2], $0x80, v3, vm0, $0xb8;
	[tilespmem:$0x12100] =	vst v63  }
0xe1: {  	_ = 	snop  }
0xe2: {  	[tilespmem:s15], [sflag:$0x1] =	stream.indirect_vreg.gather [hbm4b:s5+s2], $0x80, v3, vm0, $0xb8;
	[tilespmem:$0x12100] =	vst v63  }
0xe3: {  	_ = 	snop  }
0xe4: {  	[tilespmem:s16], [sflag:$0x1] =	stream.indirect_vreg.gather [hbm4b:s6+s2], $0x80, v3, vm0, $0xb8;
	[tilespmem:$0x12100] =	vst v63  }
0xe5: {  	v3 =	vld [tilespmem:$0xB0];
	_ =	sdelay $0x4  }
0xe6: {  	v47 =	vshrl.u32 v3, $0x3  }
0xe7: {  	v4 =	vmul.u32 $0x30, v47  }
0xe8: {  	v3 =	vand.u32 $0x7, v3  }
0xe9: {  	v3 =	vor.u32 v3, v4  }
0xea: {  	v4 =	vperm.xlane v3, v0;
	_ =	sdelay $0x1  }
0xeb: {  	v4 =	vadd.s32 v1, v4;
	_ =	sdelay $0x3  }
0xec: {  	v3 =	vperm.xlane v3, v2  }
0xed: {  	[tilespmem:s17], [sflag:$0x1] =	stream.indirect_vreg.gather [hbm4b:s4+s2], $0x80, v4, vm0, $0xb8;
	[tilespmem:$0x12100] =	vst v63  }
0xee: {  	v3 =	vadd.s32 v1, v3  }
0xef: {  	[tilespmem:s18], [sflag:$0x1] =	stream.indirect_vreg.gather [hbm4b:s5+s2], $0x80, v4, vm0, $0xb8;
	[tilespmem:$0x12100] =	vst v63  }
0xf0: {  	_ = 	snop  }
0xf1: {  	[tilespmem:s19], [sflag:$0x1] =	stream.indirect_vreg.gather [hbm4b:s6+s2], $0x80, v4, vm0, $0xb8;
	[tilespmem:$0x12100] =	vst v63  }
0xf2: {  	_ = 	snop  }
0xf3: {  	[tilespmem:s20], [sflag:$0x1] =	stream.indirect_vreg.gather [hbm4b:s4+s2], $0x80, v3, vm0, $0xb8;
	[tilespmem:$0x12100] =	vst v63  }
0xf4: {  	_ = 	snop  }
0xf5: {  	[tilespmem:s9], [sflag:$0x1] =	stream.indirect_vreg.gather [hbm4b:s5+s2], $0x80, v3, vm0, $0xb8;
	[tilespmem:$0x12100] =	vst v63  }
0xf6: {  	s23 =	simm.s32 $0xB900  }
0xf7: {  	[tilespmem:s23], [sflag:$0x1] =	stream.indirect_vreg.gather [hbm4b:s6+s2], $0x80, v3, vm0, $0xb8;
	[tilespmem:$0x12100] =	vst v63  }
0xf8: {  	v3 =	vld [tilespmem:$0xC0];
	_ =	sdelay $0x4  }
0xf9: {  	v48 =	vshrl.u32 v3, $0x3  }
0xfa: {  	v4 =	vmul.u32 $0x30, v48  }
0xfb: {  	v3 =	vand.u32 $0x7, v3  }
0xfc: {  	v3 =	vor.u32 v3, v4  }
0xfd: {  	v4 =	vperm.xlane v3, v0;
	_ =	sdelay $0x1  }
0xfe: {  	v4 =	vadd.s32 v1, v4;
	_ =	sdelay $0x3  }
0xff: {  	v3 =	vperm.xlane v3, v2  }
0x100: {  	[tilespmem:s0], [sflag:$0x1] =	stream.indirect_vreg.gather [hbm4b:s4+s2], $0x80, v4, vm0, $0xb8;
	[tilespmem:$0x12100] =	vst v63  }
0x101: {  	s23 =	simm.s32 $0xC900;
	v3 =	vadd.s32 v1, v3  }
0x102: {  	[tilespmem:s23], [sflag:$0x1] =	stream.indirect_vreg.gather [hbm4b:s5+s2], $0x80, v4, vm0, $0xb8;
	[tilespmem:$0x12100] =	vst v63  }
0x103: {  	s23 =	simm.s32 $0xD100  }
0x104: {  	[tilespmem:s23], [sflag:$0x1] =	stream.indirect_vreg.gather [hbm4b:s6+s2], $0x80, v4, vm0, $0xb8;
	[tilespmem:$0x12100] =	vst v63  }
0x105: {  	s23 =	simm.s32 $0xD900  }
0x106: {  	[tilespmem:s23], [sflag:$0x1] =	stream.indirect_vreg.gather [hbm4b:s4+s2], $0x80, v3, vm0, $0xb8;
	[tilespmem:$0x12100] =	vst v63  }
0x107: {  	s23 =	simm.s32 $0xE100  }
0x108: {  	[tilespmem:s23], [sflag:$0x1] =	stream.indirect_vreg.gather [hbm4b:s5+s2], $0x80, v3, vm0, $0xb8;
	[tilespmem:$0x12100] =	vst v63  }
0x109: {  	s23 =	simm.s32 $0xE900  }
0x10a: {  	[tilespmem:s23], [sflag:$0x1] =	stream.indirect_vreg.gather [hbm4b:s6+s2], $0x80, v3, vm0, $0xb8;
	[tilespmem:$0x12100] =	vst v63  }
0x10b: {  	v3 =	vld [tilespmem:$0xD0];
	_ =	sdelay $0x4  }
0x10c: {  	v49 =	vshrl.u32 v3, $0x3  }
0x10d: {  	v4 =	vmul.u32 $0x30, v49  }
0x10e: {  	v3 =	vand.u32 $0x7, v3  }
0x10f: {  	v3 =	vor.u32 v3, v4  }
0x110: {  	v4 =	vperm.xlane v3, v0;
	_ =	sdelay $0x1  }
0x111: {  	v4 =	vadd.s32 v1, v4;
	_ =	sdelay $0x3  }
0x112: {  	s23 =	simm.s32 $0xF100;
	v3 =	vperm.xlane v3, v2  }
0x113: {  	[tilespmem:s23], [sflag:$0x1] =	stream.indirect_vreg.gather [hbm4b:s4+s2], $0x80, v4, vm0, $0xb8;
	[tilespmem:$0x12100] =	vst v63  }
0x114: {  	v3 =	vadd.s32 v1, v3;
	s23 =	simm.s32 $0xF900  }
0x115: {  	[tilespmem:s23], [sflag:$0x1] =	stream.indirect_vreg.gather [hbm4b:s5+s2], $0x80, v4, vm0, $0xb8;
	[tilespmem:$0x12100] =	vst v63  }
0x116: {  	s23 =	simm.s32 $0x10100  }
0x117: {  	[tilespmem:s23], [sflag:$0x1] =	stream.indirect_vreg.gather [hbm4b:s6+s2], $0x80, v4, vm0, $0xb8;
	[tilespmem:$0x12100] =	vst v63  }
0x118: {  	s23 =	simm.s32 $0x10900  }
0x119: {  	[tilespmem:s23], [sflag:$0x1] =	stream.indirect_vreg.gather [hbm4b:s4+s2], $0x80, v3, vm0, $0xb8;
	[tilespmem:$0x12100] =	vst v63  }
0x11a: {  	s23 =	simm.s32 $0x11100  }
0x11b: {  	[tilespmem:s23], [sflag:$0x1] =	stream.indirect_vreg.gather [hbm4b:s5+s2], $0x80, v3, vm0, $0xb8;
	[tilespmem:$0x12100] =	vst v63  }
0x11c: {  	s23 =	simm.s32 $0x11900  }
0x11d: {  	[tilespmem:s23], [sflag:$0x1] =	stream.indirect_vreg.gather [hbm4b:s6+s2], $0x80, v3, vm0, $0xb8;
	[tilespmem:$0x12100] =	vst v63  }
0x11e: {  	_ =	swait.ge [sflag:s22], $0x12000  }
0x11f: {  	[sflag:s22] =	ssyncset.done $0x0  }
0x120: {  	s23 =	rddreg [dreg:$0x7];
	[sflag:s22] =	ssyncadd.s32 $0xFFFEE000  }
0x121: {  	[hbm4b:s23+s2] =	stream.linear.scatter [tilespmem:s21], [sflag:$0x2], $0x6000, $0x38;
	[tilespmem:$0x12100] =	vst v63  }
0x122: {  	_ =	swait.ge [sflag:s8], $0x6000  }
0x123: {  	[sflag:s8] =	ssyncset.done $0x0  }
0x124: {  	s23 =	rddreg [dreg:$0x8];
	[sflag:s8] =	ssyncadd.s32 $0xFFFFA000  }
0x125: {  	[hbm4b:s23+s2] =	stream.linear.scatter [tilespmem:s3], [sflag:$0x2], $0x6000, $0x38;
	[tilespmem:$0x12100] =	vst v63  }
0x126: {  	_ =	swait.ge [sflag:s8], $0x6000  }
0x127: {  	[sflag:s8] =	ssyncset.done $0x0  }
0x128: {  	s23 =	rddreg [dreg:$0x9];
	[sflag:s8] =	ssyncadd.s32 $0xFFFFA000  }
0x129: {  	[hbm4b:s23+s2] =	stream.linear.scatter [tilespmem:s0], [sflag:$0x2], $0x6000, $0x38;
	[tilespmem:$0x12100] =	vst v63  }
0x12a: {  	_ =	swait.ge [sflag:s8], $0x6000  }
0x12b: {  	[sflag:s8] =	ssyncset.done $0x0  }
0x12c: {  	s23 =	rddreg [dreg:$0xa];
	[sflag:s8] =	ssyncadd.s32 $0xFFFFA000  }
0x12d: {  	[tilespmem:s2], [sflag:$0x2] =	stream.linear.gather [hbm4b:s23+s2], $0x20, $0x38;
	[tilespmem:$0x12100] =	vst v63  }
0x12e: {  	_ =	swait.ge [sflag:s8], $0x20  }
0x12f: {  	[sflag:s8] =	ssyncset.done $0x0  }
0x130: {  	[sflag:s8] =	ssyncadd.s32 $0xFFFFFFE0  }
0x131: {  	v3 =	vld [tilespmem:$0x0];
	_ =	sdelay $0x4  }
0x132: {  	v50 =	vld [tilespmem:$0x10];
	v51 =	vshrl.u32 v3, $0x3  }
0x133: {  	v52 =	vld [tilespmem:$0x0];
	v5 =	vmul.u32 $0x30, v51  }
0x134: {  	v53 =	vld [tilespmem:$0x10];
	v54 =	vand.u32 $0x7, v3  }
0x135: {  	v55 =	vld [tilespmem:$0x0];
	v5 =	vor.u32 v54, v5  }
0x136: {  	v56 =	vld [tilespmem:$0x10];
	v57 =	vperm.xlane v5, v0  }
0x137: {  	[tilespmem:$0x80] =	vst v3  }
0x138: {  	[tilespmem:$0x90] =	vst v50;
	v3 =	vadd.s32 $0x1E, v52;
	v58 =	vadd.s32 v1, v57  }
0x139: {  	[tilespmem:$0xA0] =	vst v3;
	v3 =	vadd.s32 $0x1E, v53  }
0x13a: {  	[tilespmem:$0xB0] =	vst v3;
	v3 =	vadd.s32 $0x3C, v55  }
0x13b: {  	[tilespmem:$0xC0] =	vst v3;
	v3 =	vadd.s32 $0x3C, v56  }
0x13c: {  	[tilespmem:$0xD0] =	vst v3;
	v3 =	vperm.xlane v5, v2  }
0x13d: {  	[tilespmem:s21], [sflag:$0x1] =	stream.indirect_vreg.gather [hbm4b:s4+s2], $0x80, v58, vm0, $0xb8;
	[tilespmem:$0x12100] =	vst v63  }
0x13e: {  	v3 =	vadd.s32 v1, v3  }
0x13f: {  	[tilespmem:s24], [sflag:$0x1] =	stream.indirect_vreg.gather [hbm4b:s5+s2], $0x80, v58, vm0, $0xb8;
	[tilespmem:$0x12100] =	vst v63  }
0x140: {  	_ = 	snop  }
0x141: {  	[tilespmem:s25], [sflag:$0x1] =	stream.indirect_vreg.gather [hbm4b:s6+s2], $0x80, v58, vm0, $0xb8;
	[tilespmem:$0x12100] =	vst v63  }
0x142: {  	_ = 	snop  }
0x143: {  	[tilespmem:s26], [sflag:$0x1] =	stream.indirect_vreg.gather [hbm4b:s4+s2], $0x80, v3, vm0, $0xb8;
	[tilespmem:$0x12100] =	vst v63  }
0x144: {  	_ = 	snop  }
0x145: {  	[tilespmem:s28], [sflag:$0x1] =	stream.indirect_vreg.gather [hbm4b:s5+s2], $0x80, v3, vm0, $0xb8;
	[tilespmem:$0x12100] =	vst v63  }
0x146: {  	_ = 	snop  }
0x147: {  	[tilespmem:s29], [sflag:$0x1] =	stream.indirect_vreg.gather [hbm4b:s6+s2], $0x80, v3, vm0, $0xb8;
	[tilespmem:$0x12100] =	vst v63  }
0x148: {  	v3 =	vld [tilespmem:$0x90];
	_ =	sdelay $0x4  }
0x149: {  	v59 =	vshrl.u32 v3, $0x3  }
0x14a: {  	v4 =	vmul.u32 $0x30, v59  }
0x14b: {  	v3 =	vand.u32 $0x7, v3  }
0x14c: {  	v3 =	vor.u32 v3, v4  }
0x14d: {  	v4 =	vperm.xlane v3, v0;
	_ =	sdelay $0x1  }
0x14e: {  	v4 =	vadd.s32 v1, v4;
	_ =	sdelay $0x3  }
0x14f: {  	v3 =	vperm.xlane v3, v2  }
0x150: {  	[tilespmem:s30], [sflag:$0x1] =	stream.indirect_vreg.gather [hbm4b:s4+s2], $0x80, v4, vm0, $0xb8;
	[tilespmem:$0x12100] =	vst v63  }
0x151: {  	v3 =	vadd.s32 v1, v3  }
0x152: {  	[tilespmem:s31], [sflag:$0x1] =	stream.indirect_vreg.gather [hbm4b:s5+s2], $0x80, v4, vm0, $0xb8;
	[tilespmem:$0x12100] =	vst v63  }
0x153: {  	_ = 	snop  }
0x154: {  	[tilespmem:s1], [sflag:$0x1] =	stream.indirect_vreg.gather [hbm4b:s6+s2], $0x80, v4, vm0, $0xb8;
	[tilespmem:$0x12100] =	vst v63  }
0x155: {  	s23 =	simm.s32 $0x4900  }
0x156: {  	[tilespmem:s23], [sflag:$0x1] =	stream.indirect_vreg.gather [hbm4b:s4+s2], $0x80, v3, vm0, $0xb8;
	[tilespmem:$0x12100] =	vst v63  }
0x157: {  	_ = 	snop  }
0x158: {  	[tilespmem:s10], [sflag:$0x1] =	stream.indirect_vreg.gather [hbm4b:s5+s2], $0x80, v3, vm0, $0xb8;
	[tilespmem:$0x12100] =	vst v63  }
0x159: {  	_ = 	snop  }
0x15a: {  	[tilespmem:s11], [sflag:$0x1] =	stream.indirect_vreg.gather [hbm4b:s6+s2], $0x80, v3, vm0, $0xb8;
	[tilespmem:$0x12100] =	vst v63  }
0x15b: {  	v3 =	vld [tilespmem:$0xA0];
	_ =	sdelay $0x4  }
0x15c: {  	v60 =	vshrl.u32 v3, $0x3  }
0x15d: {  	v4 =	vmul.u32 $0x30, v60  }
0x15e: {  	v3 =	vand.u32 $0x7, v3  }
0x15f: {  	v3 =	vor.u32 v3, v4  }
0x160: {  	v4 =	vperm.xlane v3, v0;
	_ =	sdelay $0x1  }
0x161: {  	v4 =	vadd.s32 v1, v4;
	_ =	sdelay $0x3  }
0x162: {  	v3 =	vperm.xlane v3, v2  }
0x163: {  	[tilespmem:s3], [sflag:$0x1] =	stream.indirect_vreg.gather [hbm4b:s4+s2], $0x80, v4, vm0, $0xb8;
	[tilespmem:$0x12100] =	vst v63  }
0x164: {  	v3 =	vadd.s32 v1, v3  }
0x165: {  	[tilespmem:s12], [sflag:$0x1] =	stream.indirect_vreg.gather [hbm4b:s5+s2], $0x80, v4, vm0, $0xb8;
	[tilespmem:$0x12100] =	vst v63  }
0x166: {  	_ = 	snop  }
0x167: {  	[tilespmem:s13], [sflag:$0x1] =	stream.indirect_vreg.gather [hbm4b:s6+s2], $0x80, v4, vm0, $0xb8;
	[tilespmem:$0x12100] =	vst v63  }
0x168: {  	_ = 	snop  }
0x169: {  	[tilespmem:s14], [sflag:$0x1] =	stream.indirect_vreg.gather [hbm4b:s4+s2], $0x80, v3, vm0, $0xb8;
	[tilespmem:$0x12100] =	vst v63  }
0x16a: {  	_ = 	snop  }
0x16b: {  	[tilespmem:s15], [sflag:$0x1] =	stream.indirect_vreg.gather [hbm4b:s5+s2], $0x80, v3, vm0, $0xb8;
	[tilespmem:$0x12100] =	vst v63  }
0x16c: {  	_ = 	snop  }
0x16d: {  	[tilespmem:s16], [sflag:$0x1] =	stream.indirect_vreg.gather [hbm4b:s6+s2], $0x80, v3, vm0, $0xb8;
	[tilespmem:$0x12100] =	vst v63  }
0x16e: {  	v3 =	vld [tilespmem:$0xB0];
	_ =	sdelay $0x4  }
0x16f: {  	v61 =	vshrl.u32 v3, $0x3  }
0x170: {  	v4 =	vmul.u32 $0x30, v61  }
0x171: {  	v3 =	vand.u32 $0x7, v3  }
0x172: {  	v3 =	vor.u32 v3, v4  }
0x173: {  	v4 =	vperm.xlane v3, v0;
	_ =	sdelay $0x1  }
0x174: {  	v4 =	vadd.s32 v1, v4;
	_ =	sdelay $0x3  }
0x175: {  	v3 =	vperm.xlane v3, v2  }
0x176: {  	[tilespmem:s17], [sflag:$0x1] =	stream.indirect_vreg.gather [hbm4b:s4+s2], $0x80, v4, vm0, $0xb8;
	[tilespmem:$0x12100] =	vst v63  }
0x177: {  	v3 =	vadd.s32 v1, v3  }
0x178: {  	[tilespmem:s18], [sflag:$0x1] =	stream.indirect_vreg.gather [hbm4b:s5+s2], $0x80, v4, vm0, $0xb8;
	[tilespmem:$0x12100] =	vst v63  }
0x179: {  	_ = 	snop  }
0x17a: {  	[tilespmem:s19], [sflag:$0x1] =	stream.indirect_vreg.gather [hbm4b:s6+s2], $0x80, v4, vm0, $0xb8;
	[tilespmem:$0x12100] =	vst v63  }
0x17b: {  	_ = 	snop  }
0x17c: {  	[tilespmem:s20], [sflag:$0x1] =	stream.indirect_vreg.gather [hbm4b:s4+s2], $0x80, v3, vm0, $0xb8;
	[tilespmem:$0x12100] =	vst v63  }
0x17d: {  	_ = 	snop  }
0x17e: {  	[tilespmem:s9], [sflag:$0x1] =	stream.indirect_vreg.gather [hbm4b:s5+s2], $0x80, v3, vm0, $0xb8;
	[tilespmem:$0x12100] =	vst v63  }
0x17f: {  	s23 =	simm.s32 $0xB900  }
0x180: {  	[tilespmem:s23], [sflag:$0x1] =	stream.indirect_vreg.gather [hbm4b:s6+s2], $0x80, v3, vm0, $0xb8;
	[tilespmem:$0x12100] =	vst v63  }
0x181: {  	v3 =	vld [tilespmem:$0xC0];
	_ =	sdelay $0x4  }
0x182: {  	v62 =	vshrl.u32 v3, $0x3  }
0x183: {  	v4 =	vmul.u32 $0x30, v62  }
0x184: {  	v3 =	vand.u32 $0x7, v3  }
0x185: {  	v3 =	vor.u32 v3, v4  }
0x186: {  	v4 =	vperm.xlane v3, v0;
	_ =	sdelay $0x1  }
0x187: {  	v4 =	vadd.s32 v1, v4;
	_ =	sdelay $0x3  }
0x188: {  	v3 =	vperm.xlane v3, v2  }
0x189: {  	[tilespmem:s0], [sflag:$0x1] =	stream.indirect_vreg.gather [hbm4b:s4+s2], $0x80, v4, vm0, $0xb8;
	[tilespmem:$0x12100] =	vst v63  }
0x18a: {  	s23 =	simm.s32 $0xC900;
	v3 =	vadd.s32 v1, v3  }
0x18b: {  	[tilespmem:s23], [sflag:$0x1] =	stream.indirect_vreg.gather [hbm4b:s5+s2], $0x80, v4, vm0, $0xb8;
	[tilespmem:$0x12100] =	vst v63  }
0x18c: {  	s23 =	simm.s32 $0xD100  }
0x18d: {  	[tilespmem:s23], [sflag:$0x1] =	stream.indirect_vreg.gather [hbm4b:s6+s2], $0x80, v4, vm0, $0xb8;
	[tilespmem:$0x12100] =	vst v63  }
0x18e: {  	s23 =	simm.s32 $0xD900  }
0x18f: {  	[tilespmem:s23], [sflag:$0x1] =	stream.indirect_vreg.gather [hbm4b:s4+s2], $0x80, v3, vm0, $0xb8;
	[tilespmem:$0x12100] =	vst v63  }
0x190: {  	s23 =	simm.s32 $0xE100  }
0x191: {  	[tilespmem:s23], [sflag:$0x1] =	stream.indirect_vreg.gather [hbm4b:s5+s2], $0x80, v3, vm0, $0xb8;
	[tilespmem:$0x12100] =	vst v63  }
0x192: {  	s23 =	simm.s32 $0xE900  }
0x193: {  	[tilespmem:s23], [sflag:$0x1] =	stream.indirect_vreg.gather [hbm4b:s6+s2], $0x80, v3, vm0, $0xb8;
	[tilespmem:$0x12100] =	vst v63  }
0x194: {  	v3 =	vld [tilespmem:$0xD0];
	_ =	sdelay $0x4  }
0x195: {  	v63 =	vshrl.u32 v3, $0x3  }
0x196: {  	v4 =	vmul.u32 $0x30, v63  }
0x197: {  	v3 =	vand.u32 $0x7, v3  }
0x198: {  	v3 =	vor.u32 v3, v4  }
0x199: {  	v4 =	vperm.xlane v3, v0;
	_ =	sdelay $0x1  }
0x19a: {  	v4 =	vadd.s32 v1, v4;
	_ =	sdelay $0x3  }
0x19b: {  	s23 =	simm.s32 $0xF100;
	v3 =	vperm.xlane v3, v2  }
0x19c: {  	[tilespmem:s23], [sflag:$0x1] =	stream.indirect_vreg.gather [hbm4b:s4+s2], $0x80, v4, vm0, $0xb8;
	[tilespmem:$0x12100] =	vst v63  }
0x19d: {  	v3 =	vadd.s32 v1, v3;
	s23 =	simm.s32 $0xF900  }
0x19e: {  	[tilespmem:s23], [sflag:$0x1] =	stream.indirect_vreg.gather [hbm4b:s5+s2], $0x80, v4, vm0, $0xb8;
	[tilespmem:$0x12100] =	vst v63  }
0x19f: {  	s23 =	simm.s32 $0x10100  }
0x1a0: {  	[tilespmem:s23], [sflag:$0x1] =	stream.indirect_vreg.gather [hbm4b:s6+s2], $0x80, v4, vm0, $0xb8;
	[tilespmem:$0x12100] =	vst v63  }
0x1a1: {  	s23 =	simm.s32 $0x10900  }
0x1a2: {  	[tilespmem:s23], [sflag:$0x1] =	stream.indirect_vreg.gather [hbm4b:s4+s2], $0x80, v3, vm0, $0xb8;
	[tilespmem:$0x12100] =	vst v63  }
0x1a3: {  	s23 =	simm.s32 $0x11100  }
0x1a4: {  	[tilespmem:s23], [sflag:$0x1] =	stream.indirect_vreg.gather [hbm4b:s5+s2], $0x80, v3, vm0, $0xb8;
	[tilespmem:$0x12100] =	vst v63  }
0x1a5: {  	s23 =	simm.s32 $0x11900  }
0x1a6: {  	[tilespmem:s23], [sflag:$0x1] =	stream.indirect_vreg.gather [hbm4b:s6+s2], $0x80, v3, vm0, $0xb8;
	[tilespmem:$0x12100] =	vst v63  }
0x1a7: {  	_ =	swait.ge [sflag:s22], $0x12000  }
0x1a8: {  	[sflag:s22] =	ssyncset.done $0x0  }
0x1a9: {  	s1 =	rddreg [dreg:$0xb];
	[sflag:s22] =	ssyncadd.s32 $0xFFFEE000  }
0x1aa: {  	[hbm4b:s1+s2] =	stream.linear.scatter [tilespmem:s21], [sflag:$0x2], $0x6000, $0x38;
	[tilespmem:$0x12100] =	vst v63  }
0x1ab: {  	_ =	swait.ge [sflag:s8], $0x6000  }
0x1ac: {  	[sflag:s8] =	ssyncset.done $0x0  }
0x1ad: {  	s1 =	rddreg [dreg:$0xc];
	[sflag:s8] =	ssyncadd.s32 $0xFFFFA000  }
0x1ae: {  	[hbm4b:s1+s2] =	stream.linear.scatter [tilespmem:s3], [sflag:$0x2], $0x6000, $0x38;
	[tilespmem:$0x12100] =	vst v63  }
0x1af: {  	_ =	swait.ge [sflag:s8], $0x6000  }
0x1b0: {  	p0 =	sne.s32 s7, $0x1;
	[sflag:s8] =	ssyncset.done $0x0  }
.Ltmp0:
0x1b1: {  	s1 =	rddreg [dreg:$0xd];
	[sflag:s8] =	ssyncadd.s32 $0xFFFFA000;
	(pc) =	sbr.rel @p0 .LBB2_1-.Ltmp0, $4  }
0x1b2: {  	[hbm4b:s1+s2] =	stream.linear.scatter [tilespmem:s0], [sflag:$0x2], $0x6000, $0x38;
	[tilespmem:$0x12100] =	vst v63  }
0x1b3: {  	_ =	swait.ge [sflag:s8], $0x6000  }
0x1b4: {  	[sflag:s8] =	ssyncset.done $0x0  }
0x1b5: {  	s7 =	sadd.s32 $0xFFFFFFFF, s7;
	[sflag:s8] =	ssyncadd.s32 $0xFFFFA000  }
0x1b6: {  	_ =	sfence.sel $0x180000  }
0x1b7: {  	[bflag:$0x0] =	sbarrier.arrive $0xFFFF  }
0x1b8: {  	_ =	strace $0x90000047  }
0x1b9: {  	s0 =	stileid.u32;
	[bflag:$0x2] =	sbarrier.arrive $0xFFFF  }
0x1ba: {  	p0 =	sne.s32 s0, $0x0;
	s0 =	rddreg [dreg:$0x2]  }
0x1bb: {  	s0 =	sadd.s32 @!p0 $0x100000, s0  }
0x1bc: {  	[sflag:s0] =	ssyncadd.tile.s32 @!p0 $0x1;
	_ =	shalt  }
.Lfunc_end2:
_tile_overlayer_lowered:
.L_overlay_start_2:
0x1bd: {  	(tag) =	ssettag $0x2  }
0x1be: {  	s0 =	rddreg [dreg:$0x0];
	s2 =	stileid.u32  }
0x1bf: {  	s1 =	rddreg [dreg:$0x1];
	p0 =	sne.s32 s2, $0x0  }
0x1c0: {  	s3 =	rddreg [dreg:$0x2];
	[bflag:$0x3] =	sbarrier.arrive $0xFFFF;
	s2 =	simm.s32 @!p0 $0x1C02  }
0x1c1: {  	[timem:s3], [sflag:s2] =	dma.local @!p0 [hbm:s0], s1  }
0x1c2: {  	s0 =	simm.s32 @!p0 $0x2  }
0x1c3: {  	_ =	swait.ge @!p0 [sflag:s0], s1  }
0x1c4: {  	s1 =	ssub.s32 @!p0 $0x0, s1;
	[sflag:s0] =	ssyncset.done @!p0 $0x0  }
0x1c5: {  	[sflag:s0] =	ssyncadd.s32 @!p0 s1  }
0x1c6: {  	[bflag:$0x3] =	sbarrier.arrive $0xFFFF  }
0x1c7: {  	_ =	shalt  }

</sc_bundles>
